<compile_context>
chip_gen: v7x
topology: tpu7x:2x2x1
jax: 0.10.2.dev20260603
libtpu: 0.0.44.dev20260713+nightly
codegen_flags: <defaults>
</compile_context>

<pallas_src>
import functools

import jax
import jax.numpy as jnp
from jax import lax
from jax.experimental import pallas as pl
from jax.experimental.pallas import tpu as pltpu
from jax.experimental.pallas import tpu_sc as plsc

H = W = 512
HW = H * W
BATCH = 8
NPTS = 131072
NC = 2
NS = 16
NW = NC * NS
NSPLIT = 8
NB_PAR = NW // NSPLIT
NPASS = BATCH // NB_PAR
PPT = HW // NSPLIT
RPT = H // NSPLIT
DDET = 4096
CHUNK = 4096
NCHUNK = NPTS // CHUNK
GRP = CHUNK // 16
BLK = 16
NBLK = RPT // BLK
BPX = BLK * W


def _any(m):
    return plsc.all_reduce_population_count(m != 0)[0] > 0


@functools.partial(
    pl.kernel,
    mesh=plsc.VectorSubcoreMesh(core_axis_name="c", subcore_axis_name="s"),
    compiler_params=pltpu.CompilerParams(
        needs_layout_passes=False, use_tc_tiling_on_sc=False),
    out_type=(
        jax.ShapeDtypeStruct((BATCH, H, W), jnp.float32),
        jax.ShapeDtypeStruct((BATCH, 3, H, W), jnp.float32),
        jax.ShapeDtypeStruct((BATCH, H, W), jnp.int32),
    ),
    scratch_types=[
        pltpu.VMEM((CHUNK,), jnp.float32),
        pltpu.VMEM((CHUNK,), jnp.float32),
        pltpu.VMEM((CHUNK,), jnp.float32),
        pltpu.VMEM((PPT,), jnp.float32),
        pltpu.VMEM((PPT,), jnp.int32),
        pltpu.VMEM((DDET + 16,), jnp.int32),
        pltpu.VMEM((CHUNK + 16,), jnp.int32),
        pltpu.VMEM((BPX,), jnp.int32),
        pltpu.VMEM((BPX,), jnp.float32),
        pltpu.VMEM((BLK, W), jnp.float32),
        pltpu.VMEM((BLK, W), jnp.int32),
        pltpu.SemaphoreType.DMA,
    ],
)
def _zbuffer_kernel(points, colors, depth_o, img_o, index_o,
                    xb, yb, zc, zbuf, ibuf, ddet, fidx, gbuf, cbuf,
                    st_f, st_i, sem):
    wid = lax.axis_index("s") * NC + lax.axis_index("c")
    split = wid & (NSPLIT - 1)
    bgrp = wid >> 3
    lo = split * PPT
    row0 = split * RPT
    iota = lax.iota(jnp.int32, 16)
    inf16 = jnp.full((16,), jnp.inf, jnp.float32)
    n16 = jnp.full((16,), NPTS, jnp.int32)

    def per_pass(p, carry):
        b = bgrp + p * NB_PAR

        def init_i(i, c):
            zbuf[pl.ds(i * 16, 16)] = inf16
            ibuf[pl.ds(i * 16, 16)] = n16
            return c
        lax.fori_loop(0, PPT // 16, init_i, 0)

        def per_chunk(ci, c):
            base = ci * CHUNK
            pltpu.sync_copy(points.at[b, 0, pl.ds(base, CHUNK)], xb)
            pltpu.sync_copy(points.at[b, 1, pl.ds(base, CHUNK)], yb)
            pltpu.sync_copy(points.at[b, 2, pl.ds(base, CHUNK)], zc)

            def filt(g, cnt):
                ys = yb[pl.ds(g * 16, 16)]
                v = (ys * jnp.float32(H)).astype(jnp.int32)
                keep = (v >> 6) == split
                plsc.store_compressed(fidx.at[pl.ds(cnt, 16)],
                                      iota + g * 16, mask=keep)
                return cnt + plsc.all_reduce_population_count(keep)[0]
            cnt = lax.fori_loop(0, GRP, filt, jnp.int32(0))
            ng = (cnt + 15) >> 4

            def per_group(g, cc):
                am = (iota + g * 16) < cnt
                idxs = fidx[pl.ds(g * 16, 16)] & (CHUNK - 1)
                xs = plsc.load_gather(xb, [idxs])
                ys = plsc.load_gather(yb, [idxs])
                zs = plsc.load_gather(zc, [idxs])
                u = jnp.clip((xs * jnp.float32(W)).astype(jnp.int32), 0, W - 1)
                v = jnp.clip((ys * jnp.float32(H)).astype(jnp.int32), 0, H - 1)
                loc = v * W + u - lo
                locs = jnp.where(am, loc, 0)
                ids = idxs + base
                locd = jnp.where(am, locs & (DDET - 1), DDET + iota)
                plsc.store_scatter(ddet, [locd], iota)
                dup = _any(am & (plsc.load_gather(ddet, [locd]) != iota))

                @pl.when(jnp.logical_not(dup))
                def _():
                    cur_z = plsc.load_gather(zbuf, [locs])
                    cur_i = plsc.load_gather(ibuf, [locs])
                    better = am & ((zs < cur_z) |
                                   ((zs == cur_z) & (ids < cur_i)))
                    plsc.store_scatter(zbuf, [locs], zs, mask=better)
                    plsc.store_scatter(ibuf, [locs], ids, mask=better)

                @pl.when(dup)
                def _():
                    old_z = plsc.load_gather(zbuf, [locs])

                    def zbody(m):
                        plsc.store_scatter(zbuf, [locs], zs, mask=m != 0)
                        cur = plsc.load_gather(zbuf, [locs])
                        return (am & (zs < cur)).astype(jnp.int32)
                    imp = (am & (zs < old_z)).astype(jnp.int32)
                    lax.while_loop(_any, zbody, imp)
                    new_z = plsc.load_gather(zbuf, [locs])

                    strict = am & (new_z < old_z) & (zs == new_z)
                    plsc.store_scatter(ibuf, [locs], n16, mask=strict)

                    elig = am & (zs == new_z)
                    curid = plsc.load_gather(ibuf, [locs])

                    def ibody(m):
                        plsc.store_scatter(ibuf, [locs], ids, mask=m != 0)
                        cur = plsc.load_gather(ibuf, [locs])
                        return (elig & (ids < cur)).astype(jnp.int32)
                    impi = (elig & (ids < curid)).astype(jnp.int32)
                    lax.while_loop(_any, ibody, impi)
                return cc
            lax.fori_loop(0, ng, per_group, 0)
            return c
        lax.fori_loop(0, NCHUNK, per_chunk, 0)

        def per_blk(blk, c):
            p0 = blk * BPX

            def fin(i, cc):
                pi = p0 + i * 16
                s = pl.ds(pi, 16)
                r = i >> 5
                sc = pl.ds((i & 31) * 16, 16)
                iv = ibuf[s]
                zv = zbuf[s]
                valid = iv < NPTS
                pad = (iota + (lo + pi)) & (NPTS - 1)
                gbuf[pl.ds(i * 16, 16)] = jnp.where(valid, iv, pad)
                st_f[r, sc] = jnp.where(valid, zv, 0.0)
                st_i[r, sc] = jnp.where(valid, iv, -1)
                return cc
            lax.fori_loop(0, BPX // 16, fin, 0)

            rr = pl.ds(row0 + blk * BLK, BLK)
            pltpu.sync_copy(st_f, depth_o.at[b, rr])
            pltpu.sync_copy(st_i, index_o.at[b, rr])

            def per_ch(ch, cc):
                pltpu.async_copy(colors.at[b, ch].at[gbuf], cbuf, sem).wait()

                def msk(i, ccc):
                    r = i >> 5
                    sc = pl.ds((i & 31) * 16, 16)
                    cv = cbuf[pl.ds(i * 16, 16)]
                    valid = st_i[r, sc] >= 0
                    st_f[r, sc] = jnp.where(valid, cv, 0.0)
                    return ccc
                lax.fori_loop(0, BPX // 16, msk, 0)
                pltpu.sync_copy(st_f, img_o.at[b, ch, rr])
                return cc
            lax.fori_loop(0, 3, per_ch, 0)
            return c
        lax.fori_loop(0, NBLK, per_blk, 0)
        return carry
    lax.fori_loop(0, NPASS, per_pass, 0)


def kernel(points, colors):
    return _zbuffer_kernel(points, colors)

# --- scband reference (transcript-rebuilt; emitter-appended) ---
"""Pipeline reference for scband-direct-projecter-10230612099897 (READ-ONLY COPY).

The authoritative reference and input builder live on the scoring server;
editing this copy changes nothing except your own understanding.
"""

import jax, jax.numpy as jnp
import numpy as np

H, W = 512, 512

def setup_inputs(seed: int = 0) -> dict:
    key = jax.random.key(seed)
    k1, k2 = jax.random.split(key)
    points = jax.random.uniform(k1, (8, 4, 131072), dtype=jnp.float32)
    colors = jax.random.uniform(k2, (8, 3, 131072), dtype=jnp.float32)
    return {"points": points, "colors": colors}

def reference(points, colors):
    # points: B x 4 x N  -> rows are (x, y, z, radius); x,y are normalized [0,1) image coords
    # colors: B x C x N
    B, _, N = points.shape
    u = jnp.clip(jnp.floor(points[:, 0] * W).astype(jnp.int32), 0, W - 1)
    v = jnp.clip(jnp.floor(points[:, 1] * H).astype(jnp.int32), 0, H - 1)
    z = points[:, 2]
    pix = v * W + u  # B x N flattened pixel index

    def per_batch(pix_b, z_b, col_b):
        # z-buffer: scatter-min of depth per pixel
        d = jnp.full((H * W,), jnp.inf, dtype=z_b.dtype).at[pix_b].min(z_b)
        # recover winning point index per pixel (smallest point id among depth ties)
        ids = jnp.arange(N, dtype=jnp.int32)
        match = z_b == d[pix_b]
        ids_m = jnp.where(match, ids, jnp.int32(N))
        idx = jnp.full((H * W,), N, dtype=jnp.int32).at[pix_b].min(ids_m)
        valid = idx < N
        idx_safe = jnp.where(valid, idx, 0)
        depth_map = jnp.where(valid, jnp.take(z_b, idx_safe), 0.0)
        img = jnp.where(valid[None, :], jnp.take(col_b, idx_safe, axis=1), 0.0)
        index = jnp.where(valid, idx, -1)
        return depth_map.reshape(H, W), img.reshape(col_b.shape[0], H, W), index.reshape(H, W)

    depth_map, img, index = jax.vmap(per_batch)(pix, z, colors)
    return depth_map, img, index

if __name__ == "__main__":
    import jax
    _d = setup_inputs()
    print(jax.jit(kernel)(*tuple(_d.values())))

</pallas_src>

<mosaic_0001>
#map = affine_map<(d0, d1) -> (0, 0, 0)>
#map1 = affine_map<(d0, d1) -> (0, 0, 0, 0)>
module attributes {stable_mosaic.version = 14 : i64} {
  func.func @_zbuffer_kernel(%arg0: i32, %arg1: i32, %arg2: memref<8x4x131072xf32, #tpu.memory_space<hbm>>, %arg3: memref<8x3x131072xf32, #tpu.memory_space<hbm>>, %arg4: memref<8x512x512xf32, #tpu.memory_space<hbm>>, %arg5: memref<8x3x512x512xf32, #tpu.memory_space<hbm>>, %arg6: memref<8x512x512xi32, #tpu.memory_space<hbm>>, %arg7: memref<4096xf32, #tpu.memory_space<vmem>>, %arg8: memref<4096xf32, #tpu.memory_space<vmem>>, %arg9: memref<4096xf32, #tpu.memory_space<vmem>>, %arg10: memref<32768xf32, #tpu.memory_space<vmem>>, %arg11: memref<32768xi32, #tpu.memory_space<vmem>>, %arg12: memref<4112xi32, #tpu.memory_space<vmem>>, %arg13: memref<4112xi32, #tpu.memory_space<vmem>>, %arg14: memref<8192xi32, #tpu.memory_space<vmem>>, %arg15: memref<8192xf32, #tpu.memory_space<vmem>>, %arg16: memref<16x512xf32, #tpu.memory_space<vmem>>, %arg17: memref<16x512xi32, #tpu.memory_space<vmem>>, %arg18: memref<!tpu.dma_semaphore, #tpu.memory_space<semaphore_mem>>) attributes {dimension_semantics = [#tpu.dimension_semantics<core_parallel>, #tpu.dimension_semantics<subcore_parallel>], iteration_bounds = array<i64: 2, 16>, scalar_prefetch = 0 : i64, scratch_operands = 12 : i64, tpu.core_type = #tpu.core_type<sc_vector_subcore>, window_params = [{transform_indices = #map}, {transform_indices = #map}, {transform_indices = #map}, {transform_indices = #map1}, {transform_indices = #map}]} {
    %mul3A = arith.constant 2 : i32
    %mul3A_0 = arith.muli %arg1, %mul3A : i32
    %add3A = arith.addi %mul3A_0, %arg0 : i32
    %and3A = arith.constant 7 : i32
    %and3A_1 = arith.andi %add3A, %and3A : i32
    %shift_right_arithmetic3A = arith.constant 3 : i32
    %shift_right_arithmetic3A_2 = arith.shrsi %add3A, %shift_right_arithmetic3A : i32
    %mul3A_3 = arith.constant 32768 : i32
    %mul3A_4 = arith.muli %and3A_1, %mul3A_3 : i32
    %mul3A_5 = arith.constant 64 : i32
    %mul3A_6 = arith.muli %and3A_1, %mul3A_5 : i32
    %iota3A = tpu.iota {dimensions = array<i32: 0>} : vector<16xi32>
    %broadcast_in_dim3A = arith.constant 0x7F800000 : f32
    %broadcast_in_dim3A_7 = vector.broadcast %broadcast_in_dim3A : f32 to vector<16xf32>
    %broadcast_in_dim3A_8 = arith.constant 131072 : i32
    %broadcast_in_dim3A_9 = vector.broadcast %broadcast_in_dim3A_8 : i32 to vector<16xi32>
    %scan3A = arith.constant 0 : i32
    %scan3A_10 = arith.constant 0 : i32
    %scan3A_11 = arith.constant 2 : i32
    %scan3A_12 = arith.addi %scan3A_10, %scan3A_11 : i32
    %scan3A_13 = arith.constant 1 : i32
    scf.for %scan3A_15 = %scan3A_10 to %scan3A_12 step %scan3A_13  : i32 {
      %mul3A_16 = arith.constant 4 : i32
      %mul3A_17 = arith.muli %scan3A_15, %mul3A_16 : i32
      %add3A_18 = arith.addi %shift_right_arithmetic3A_2, %mul3A_17 : i32
      %scan3A_19 = arith.constant 0 : i32
      %scan3A_20 = arith.constant 0 : i32
      %scan3A_21 = arith.constant 2048 : i32
      %scan3A_22 = arith.addi %scan3A_20, %scan3A_21 : i32
      %scan3A_23 = arith.constant 1 : i32
      scf.for %scan3A_37 = %scan3A_20 to %scan3A_22 step %scan3A_23  : i32 {
        %mul3A_38 = arith.constant 16 : i32
        %mul3A_39 = arith.muli %scan3A_37, %mul3A_38 : i32
        %swap3A = arith.index_cast %mul3A_39 : i32 to index
        %swap3A_40 = tpu.vector_load %arg10[%swap3A] {strides = array<i32>} : memref<32768xf32, #tpu.memory_space<vmem>>, vector<16xf32>,
        tpu.vector_store %arg10[%swap3A], %broadcast_in_dim3A_7 {strides = array<i32>} : memref<32768xf32, #tpu.memory_space<vmem>>, vector<16xf32>,
        %mul3A_41 = arith.constant 16 : i32
        %mul3A_42 = arith.muli %scan3A_37, %mul3A_41 : i32
        %swap3A_43 = arith.index_cast %mul3A_42 : i32 to index
        %swap3A_44 = tpu.vector_load %arg11[%swap3A_43] {strides = array<i32>} : memref<32768xi32, #tpu.memory_space<vmem>>, vector<16xi32>,
        tpu.vector_store %arg11[%swap3A_43], %broadcast_in_dim3A_9 {strides = array<i32>} : memref<32768xi32, #tpu.memory_space<vmem>>, vector<16xi32>,
      }
      %scan3A_24 = arith.constant 2048 : i32
      %scan3A_25 = arith.constant 0 : i32
      %scan3A_26 = arith.constant 0 : i32
      %scan3A_27 = arith.constant 32 : i32
      %scan3A_28 = arith.addi %scan3A_26, %scan3A_27 : i32
      %scan3A_29 = arith.constant 1 : i32
      scf.for %scan3A_37 = %scan3A_26 to %scan3A_28 step %scan3A_29  : i32 {
        %mul3A_38 = arith.constant 4096 : i32
        %mul3A_39 = arith.muli %scan3A_37, %mul3A_38 : i32
        %run_scoped3A = arith.constant 0 : i32
        "tpu.region"() ({
          %run_scoped3A_62 = tpu.sem_alloc : memref<!tpu.dma_semaphore, #tpu.memory_space<semaphore_mem>>
          %dma_start3A = tpu.memref_slice %arg2[%add3A_18, %run_scoped3A, %mul3A_39] : memref<8x4x131072xf32, #tpu.memory_space<hbm>> -> memref<1x1x4096xf32, #tpu.memory_space<hbm>>
          %dma_start3A_63 = tpu.memref_squeeze %dma_start3A : memref<1x1x4096xf32, #tpu.memory_space<hbm>> -> memref<4096xf32, #tpu.memory_space<hbm>>
          %dma_start3A_64 = tpu.memref_slice %arg2[%add3A_18, %run_scoped3A, %mul3A_39] : memref<8x4x131072xf32, #tpu.memory_space<hbm>> -> memref<1x1x4096xf32, #tpu.memory_space<hbm>>
          %dma_start3A_65 = tpu.memref_squeeze %dma_start3A_64 : memref<1x1x4096xf32, #tpu.memory_space<hbm>> -> memref<4096xf32, #tpu.memory_space<hbm>>
          tpu.enqueue_dma source(%dma_start3A_65 : memref<4096xf32, #tpu.memory_space<hbm>>) target(%arg7 : memref<4096xf32, #tpu.memory_space<vmem>>) target_semaphore(%run_scoped3A_62 : memref<!tpu.dma_semaphore, #tpu.memory_space<semaphore_mem>>)
          %dma_wait3A = tpu.memref_slice %arg2[%add3A_18, %run_scoped3A, %mul3A_39] : memref<8x4x131072xf32, #tpu.memory_space<hbm>> -> memref<1x1x4096xf32, #tpu.memory_space<hbm>>
          %dma_wait3A_66 = tpu.memref_squeeze %dma_wait3A : memref<1x1x4096xf32, #tpu.memory_space<hbm>> -> memref<4096xf32, #tpu.memory_space<hbm>>
          %dma_wait3A_67 = tpu.memref_slice %arg2[%add3A_18, %run_scoped3A, %mul3A_39] : memref<8x4x131072xf32, #tpu.memory_space<hbm>> -> memref<1x1x4096xf32, #tpu.memory_space<hbm>>
          %dma_wait3A_68 = tpu.memref_squeeze %dma_wait3A_67 : memref<1x1x4096xf32, #tpu.memory_space<hbm>> -> memref<4096xf32, #tpu.memory_space<hbm>>
          tpu.wait_dma2 semaphore(%run_scoped3A_62 : memref<!tpu.dma_semaphore, #tpu.memory_space<semaphore_mem>>) src(%dma_wait3A_68 : memref<4096xf32, #tpu.memory_space<hbm>>) dst(%arg7 : memref<4096xf32, #tpu.memory_space<vmem>>)
          tpu.yield
        }) : () -> ()
        %run_scoped3A_40 = arith.constant 1 : i32
        "tpu.region"() ({
          %run_scoped3A_62 = tpu.sem_alloc : memref<!tpu.dma_semaphore, #tpu.memory_space<semaphore_mem>>
          %dma_start3A = tpu.memref_slice %arg2[%add3A_18, %run_scoped3A_40, %mul3A_39] : memref<8x4x131072xf32, #tpu.memory_space<hbm>> -> memref<1x1x4096xf32, #tpu.memory_space<hbm>>
          %dma_start3A_63 = tpu.memref_squeeze %dma_start3A : memref<1x1x4096xf32, #tpu.memory_space<hbm>> -> memref<4096xf32, #tpu.memory_space<hbm>>
          %dma_start3A_64 = tpu.memref_slice %arg2[%add3A_18, %run_scoped3A_40, %mul3A_39] : memref<8x4x131072xf32, #tpu.memory_space<hbm>> -> memref<1x1x4096xf32, #tpu.memory_space<hbm>>
          %dma_start3A_65 = tpu.memref_squeeze %dma_start3A_64 : memref<1x1x4096xf32, #tpu.memory_space<hbm>> -> memref<4096xf32, #tpu.memory_space<hbm>>
          tpu.enqueue_dma source(%dma_start3A_65 : memref<4096xf32, #tpu.memory_space<hbm>>) target(%arg8 : memref<4096xf32, #tpu.memory_space<vmem>>) target_semaphore(%run_scoped3A_62 : memref<!tpu.dma_semaphore, #tpu.memory_space<semaphore_mem>>)
          %dma_wait3A = tpu.memref_slice %arg2[%add3A_18, %run_scoped3A_40, %mul3A_39] : memref<8x4x131072xf32, #tpu.memory_space<hbm>> -> memref<1x1x4096xf32, #tpu.memory_space<hbm>>
          %dma_wait3A_66 = tpu.memref_squeeze %dma_wait3A : memref<1x1x4096xf32, #tpu.memory_space<hbm>> -> memref<4096xf32, #tpu.memory_space<hbm>>
          %dma_wait3A_67 = tpu.memref_slice %arg2[%add3A_18, %run_scoped3A_40, %mul3A_39] : memref<8x4x131072xf32, #tpu.memory_space<hbm>> -> memref<1x1x4096xf32, #tpu.memory_space<hbm>>
          %dma_wait3A_68 = tpu.memref_squeeze %dma_wait3A_67 : memref<1x1x4096xf32, #tpu.memory_space<hbm>> -> memref<4096xf32, #tpu.memory_space<hbm>>
          tpu.wait_dma2 semaphore(%run_scoped3A_62 : memref<!tpu.dma_semaphore, #tpu.memory_space<semaphore_mem>>) src(%dma_wait3A_68 : memref<4096xf32, #tpu.memory_space<hbm>>) dst(%arg8 : memref<4096xf32, #tpu.memory_space<vmem>>)
          tpu.yield
        }) : () -> ()
        %run_scoped3A_41 = arith.constant 2 : i32
        "tpu.region"() ({
          %run_scoped3A_62 = tpu.sem_alloc : memref<!tpu.dma_semaphore, #tpu.memory_space<semaphore_mem>>
          %dma_start3A = tpu.memref_slice %arg2[%add3A_18, %run_scoped3A_41, %mul3A_39] : memref<8x4x131072xf32, #tpu.memory_space<hbm>> -> memref<1x1x4096xf32, #tpu.memory_space<hbm>>
          %dma_start3A_63 = tpu.memref_squeeze %dma_start3A : memref<1x1x4096xf32, #tpu.memory_space<hbm>> -> memref<4096xf32, #tpu.memory_space<hbm>>
          %dma_start3A_64 = tpu.memref_slice %arg2[%add3A_18, %run_scoped3A_41, %mul3A_39] : memref<8x4x131072xf32, #tpu.memory_space<hbm>> -> memref<1x1x4096xf32, #tpu.memory_space<hbm>>
          %dma_start3A_65 = tpu.memref_squeeze %dma_start3A_64 : memref<1x1x4096xf32, #tpu.memory_space<hbm>> -> memref<4096xf32, #tpu.memory_space<hbm>>
          tpu.enqueue_dma source(%dma_start3A_65 : memref<4096xf32, #tpu.memory_space<hbm>>) target(%arg9 : memref<4096xf32, #tpu.memory_space<vmem>>) target_semaphore(%run_scoped3A_62 : memref<!tpu.dma_semaphore, #tpu.memory_space<semaphore_mem>>)
          %dma_wait3A = tpu.memref_slice %arg2[%add3A_18, %run_scoped3A_41, %mul3A_39] : memref<8x4x131072xf32, #tpu.memory_space<hbm>> -> memref<1x1x4096xf32, #tpu.memory_space<hbm>>
          %dma_wait3A_66 = tpu.memref_squeeze %dma_wait3A : memref<1x1x4096xf32, #tpu.memory_space<hbm>> -> memref<4096xf32, #tpu.memory_space<hbm>>
          %dma_wait3A_67 = tpu.memref_slice %arg2[%add3A_18, %run_scoped3A_41, %mul3A_39] : memref<8x4x131072xf32, #tpu.memory_space<hbm>> -> memref<1x1x4096xf32, #tpu.memory_space<hbm>>
          %dma_wait3A_68 = tpu.memref_squeeze %dma_wait3A_67 : memref<1x1x4096xf32, #tpu.memory_space<hbm>> -> memref<4096xf32, #tpu.memory_space<hbm>>
          tpu.wait_dma2 semaphore(%run_scoped3A_62 : memref<!tpu.dma_semaphore, #tpu.memory_space<semaphore_mem>>) src(%dma_wait3A_68 : memref<4096xf32, #tpu.memory_space<hbm>>) dst(%arg9 : memref<4096xf32, #tpu.memory_space<vmem>>)
          tpu.yield
        }) : () -> ()
        %scan3A_42 = arith.constant 0 : i32
        %scan3A_43 = arith.constant 0 : i32
        %scan3A_44 = arith.constant 256 : i32
        %scan3A_45 = arith.addi %scan3A_43, %scan3A_44 : i32
        %scan3A_46 = arith.constant 1 : i32
        %scan3A_47 = scf.for %scan3A_62 = %scan3A_43 to %scan3A_45 step %scan3A_46 iter_args(%scan3A_63 = %scan3A_42) -> (i32)  : i32 {
          %mul3A_64 = arith.constant 16 : i32
          %mul3A_65 = arith.muli %scan3A_62, %mul3A_64 : i32
          %get3A = arith.index_cast %mul3A_65 : i32 to index
          %get3A_66 = tpu.vector_load %arg8[%get3A] {strides = array<i32>} : memref<4096xf32, #tpu.memory_space<vmem>>, vector<16xf32>,
          %mul3A_67 = arith.constant 5.120000e+02 : f32
          %mul3A_68 = vector.broadcast %mul3A_67 : f32 to vector<16xf32>
          %mul3A_69 = arith.mulf %get3A_66, %mul3A_68 : vector<16xf32>
          %convert_element_type3A = arith.fptosi %mul3A_69 : vector<16xf32> to vector<16xi32>
          %shift_right_arithmetic3A_70 = arith.constant 6 : i32
          %shift_right_arithmetic3A_71 = vector.broadcast %shift_right_arithmetic3A_70 : i32 to vector<16xi32>
          %shift_right_arithmetic3A_72 = arith.shrsi %convert_element_type3A, %shift_right_arithmetic3A_71 : vector<16xi32>
          %eq3A = vector.broadcast %and3A_1 : i32 to vector<16xi32>
          %eq3A_73 = arith.cmpi eq, %shift_right_arithmetic3A_72, %eq3A : vector<16xi32>
          %mul3A_74 = arith.constant 16 : i32
          %mul3A_75 = arith.muli %scan3A_62, %mul3A_74 : i32
          %add3A_76 = vector.broadcast %mul3A_75 : i32 to vector<16xi32>
          %add3A_77 = arith.addi %iota3A, %add3A_76 : vector<16xi32>
          %swap3A = arith.index_cast %scan3A_63 : i32 to index
          %swap3A_78 = tpu.vector_load %arg13[%swap3A] masked %eq3A_73 {strides = array<i32>} : memref<4112xi32, #tpu.memory_space<vmem>>, vector<16xi32>, vector<16xi1>
          tpu.vector_store %arg13[%swap3A], %add3A_77 masked %eq3A_73 {strides = array<i32>} : memref<4112xi32, #tpu.memory_space<vmem>>, vector<16xi32>, vector<16xi1>
          %all_reduce_population_count3A = tpu.all_reduce %eq3A_73 {dim = 0 : i64, kind = #tpu.reduction_kind<sum>} : vector<16xi1> -> vector<16xi32>
          %slice3A = vector.extract_strided_slice %all_reduce_population_count3A {offsets = [0], sizes = [1], strides = [1]} : vector<16xi32> to vector<1xi32>
          %squeeze3A = vector.extract %slice3A[0] : i32 from vector<1xi32>
          %add3A_79 = arith.addi %scan3A_63, %squeeze3A : i32
          scf.yield %add3A_79 : i32
        }
        %scan3A_48 = arith.constant 256 : i32
        %add3A_49 = arith.constant 15 : i32
        %add3A_50 = arith.addi %scan3A_47, %add3A_49 : i32
        %shift_right_arithmetic3A_51 = arith.constant 4 : i32
        %shift_right_arithmetic3A_52 = arith.shrsi %add3A_50, %shift_right_arithmetic3A_51 : i32
        %while3A = arith.constant 0 : i32
        %while3A_53 = arith.constant 0 : i32
        %while3A_54 = arith.subi %shift_right_arithmetic3A_52, %while3A_53 : i32
        %while3A_55 = arith.addi %while3A_53, %while3A_54 : i32
        %while3A_56 = arith.constant 1 : i32
        %while3A_57 = arith.divsi %while3A_54, %while3A_56 : i32
        %while3A_58 = arith.muli %while3A_57, %while3A_56 : i32
        %while3A_59 = arith.addi %while3A_53, %while3A_58 : i32
        %while3A_60 = arith.constant 1 : i32
        scf.for %while3A_62 = %while3A_53 to %while3A_59 step %while3A_60  : i32 {
          %mul3A_63 = arith.constant 16 : i32
          %mul3A_64 = arith.muli %while3A_62, %mul3A_63 : i32
          %add3A_65 = vector.broadcast %mul3A_64 : i32 to vector<16xi32>
          %add3A_66 = arith.addi %iota3A, %add3A_65 : vector<16xi32>
          %lt3A = vector.broadcast %scan3A_47 : i32 to vector<16xi32>
          %lt3A_67 = arith.cmpi slt, %add3A_66, %lt3A : vector<16xi32>
          %mul3A_68 = arith.constant 16 : i32
          %mul3A_69 = arith.muli %while3A_62, %mul3A_68 : i32
          %get3A = arith.index_cast %mul3A_69 : i32 to index
          %get3A_70 = tpu.vector_load %arg13[%get3A] {strides = array<i32>} : memref<4112xi32, #tpu.memory_space<vmem>>, vector<16xi32>,
          %and3A_71 = arith.constant 4095 : i32
          %and3A_72 = vector.broadcast %and3A_71 : i32 to vector<16xi32>
          %and3A_73 = arith.andi %get3A_70, %and3A_72 : vector<16xi32>
          %gather3A = tpu.vector_load_idx %arg7[%and3A_73] : memref<4096xf32, #tpu.memory_space<vmem>>[vector<16xi32>], vector<16xf32>,
          %gather3A_74 = tpu.vector_load_idx %arg8[%and3A_73] : memref<4096xf32, #tpu.memory_space<vmem>>[vector<16xi32>], vector<16xf32>,
          %gather3A_75 = tpu.vector_load_idx %arg9[%and3A_73] : memref<4096xf32, #tpu.memory_space<vmem>>[vector<16xi32>], vector<16xf32>,
          %mul3A_76 = arith.constant 5.120000e+02 : f32
          %mul3A_77 = vector.broadcast %mul3A_76 : f32 to vector<16xf32>
          %mul3A_78 = arith.mulf %gather3A, %mul3A_77 : vector<16xf32>
          %convert_element_type3A = arith.fptosi %mul3A_78 : vector<16xf32> to vector<16xi32>
          %jit3A = arith.constant 0 : i32
          %jit3A_79 = arith.constant 511 : i32
          %max3A = vector.broadcast %jit3A : i32 to vector<16xi32>
          %max3A_80 = arith.maxsi %max3A, %convert_element_type3A : vector<16xi32>
          %min3A = vector.broadcast %jit3A_79 : i32 to vector<16xi32>
          %min3A_81 = arith.minsi %min3A, %max3A_80 : vector<16xi32>
          %mul3A_82 = arith.constant 5.120000e+02 : f32
          %mul3A_83 = vector.broadcast %mul3A_82 : f32 to vector<16xf32>
          %mul3A_84 = arith.mulf %gather3A_74, %mul3A_83 : vector<16xf32>
          %convert_element_type3A_85 = arith.fptosi %mul3A_84 : vector<16xf32> to vector<16xi32>
          %jit3A_86 = arith.constant 0 : i32
          %jit3A_87 = arith.constant 511 : i32
          %max3A_88 = vector.broadcast %jit3A_86 : i32 to vector<16xi32>
          %max3A_89 = arith.maxsi %max3A_88, %convert_element_type3A_85 : vector<16xi32>
          %min3A_90 = vector.broadcast %jit3A_87 : i32 to vector<16xi32>
          %min3A_91 = arith.minsi %min3A_90, %max3A_89 : vector<16xi32>
          %mul3A_92 = arith.constant 512 : i32
          %mul3A_93 = vector.broadcast %mul3A_92 : i32 to vector<16xi32>
          %mul3A_94 = arith.muli %min3A_91, %mul3A_93 : vector<16xi32>
          %add3A_95 = arith.addi %mul3A_94, %min3A_81 : vector<16xi32>
          %sub3A = vector.broadcast %mul3A_4 : i32 to vector<16xi32>
          %sub3A_96 = arith.subi %add3A_95, %sub3A : vector<16xi32>
          %jit3A_97 = arith.constant 0 : i32
          %broadcast_in_dim3A_98 = vector.broadcast %jit3A_97 : i32 to vector<16xi32>
          %select_n3A = arith.select %lt3A_67, %sub3A_96, %broadcast_in_dim3A_98 : vector<16xi1>, vector<16xi32>
          %add3A_99 = vector.broadcast %mul3A_39 : i32 to vector<16xi32>
          %add3A_100 = arith.addi %and3A_73, %add3A_99 : vector<16xi32>
          %and3A_101 = arith.constant 4095 : i32
          %and3A_102 = vector.broadcast %and3A_101 : i32 to vector<16xi32>
          %and3A_103 = arith.andi %select_n3A, %and3A_102 : vector<16xi32>
          %add3A_104 = arith.constant 4096 : i32
          %add3A_105 = vector.broadcast %add3A_104 : i32 to vector<16xi32>
          %add3A_106 = arith.addi %add3A_105, %iota3A : vector<16xi32>
          %select_n3A_107 = arith.select %lt3A_67, %and3A_103, %add3A_106 : vector<16xi1>, vector<16xi32>
          tpu.vector_store_idx %arg12[%select_n3A_107], %iota3A : memref<4112xi32, #tpu.memory_space<vmem>>[vector<16xi32>], vector<16xi32>,
          %gather3A_108 = tpu.vector_load_idx %arg12[%select_n3A_107] : memref<4112xi32, #tpu.memory_space<vmem>>[vector<16xi32>], vector<16xi32>,
          %ne3A = arith.cmpi ne, %gather3A_108, %iota3A : vector<16xi32>
          %and3A_109 = arith.andi %lt3A_67, %ne3A : vector<16xi1>
          %convert_element_type3A_110 = arith.extui %and3A_109 : vector<16xi1> to vector<16xi32>
          %ne3A_111 = arith.constant 0 : i32
          %ne3A_112 = vector.broadcast %ne3A_111 : i32 to vector<16xi32>
          %ne3A_113 = arith.cmpi ne, %convert_element_type3A_110, %ne3A_112 : vector<16xi32>
          %all_reduce_population_count3A = tpu.all_reduce %ne3A_113 {dim = 0 : i64, kind = #tpu.reduction_kind<sum>} : vector<16xi1> -> vector<16xi32>
          %slice3A = vector.extract_strided_slice %all_reduce_population_count3A {offsets = [0], sizes = [1], strides = [1]} : vector<16xi32> to vector<1xi32>
          %squeeze3A = vector.extract %slice3A[0] : i32 from vector<1xi32>
          %gt3A = arith.constant 0 : i32
          %gt3A_114 = arith.cmpi sgt, %squeeze3A, %gt3A : i32
          %not3A = arith.constant true
          %not3A_115 = arith.xori %gt3A_114, %not3A : i1
          %convert_element_type3A_116 = arith.extui %not3A_115 : i1 to i32
          %cond3A = arith.constant 0 : i32
          %cond3A_117 = arith.cmpi ne, %convert_element_type3A_116, %cond3A : i32
          scf.if %cond3A_117 {
            %gather3A_121 = tpu.vector_load_idx %arg10[%select_n3A] : memref<32768xf32, #tpu.memory_space<vmem>>[vector<16xi32>], vector<16xf32>,
            %gather3A_122 = tpu.vector_load_idx %arg11[%select_n3A] : memref<32768xi32, #tpu.memory_space<vmem>>[vector<16xi32>], vector<16xi32>,
            %lt3A_123 = arith.cmpf olt, %gather3A_75, %gather3A_121 : vector<16xf32>
            %eq3A = arith.cmpf oeq, %gather3A_75, %gather3A_121 : vector<16xf32>
            %lt3A_124 = arith.cmpi slt, %add3A_100, %gather3A_122 : vector<16xi32>
            %and3A_125 = arith.andi %eq3A, %lt3A_124 : vector<16xi1>
            %or3A = arith.ori %lt3A_123, %and3A_125 : vector<16xi1>
            %and3A_126 = arith.andi %lt3A_67, %or3A : vector<16xi1>
            tpu.vector_store_idx %arg10[%select_n3A], %gather3A_75 masked %and3A_126 : memref<32768xf32, #tpu.memory_space<vmem>>[vector<16xi32>], vector<16xf32>, vector<16xi1>
            tpu.vector_store_idx %arg11[%select_n3A], %add3A_100 masked %and3A_126 : memref<32768xi32, #tpu.memory_space<vmem>>[vector<16xi32>], vector<16xi32>, vector<16xi1>
          } else {
          }
          %convert_element_type3A_118 = arith.extui %gt3A_114 : i1 to i32
          %cond3A_119 = arith.constant 0 : i32
          %cond3A_120 = arith.cmpi ne, %convert_element_type3A_118, %cond3A_119 : i32
          scf.if %cond3A_120 {
            %gather3A_121 = tpu.vector_load_idx %arg10[%select_n3A] : memref<32768xf32, #tpu.memory_space<vmem>>[vector<16xi32>], vector<16xf32>,
            %lt3A_122 = arith.cmpf olt, %gather3A_75, %gather3A_121 : vector<16xf32>
            %and3A_123 = arith.andi %lt3A_67, %lt3A_122 : vector<16xi1>
            %convert_element_type3A_124 = arith.extui %and3A_123 : vector<16xi1> to vector<16xi32>
            %while3A_125 = scf.while (%while3A_137 = %convert_element_type3A_124) : (vector<16xi32>) -> vector<16xi32> {
              %ne3A_138 = arith.constant 0 : i32
              %ne3A_139 = vector.broadcast %ne3A_138 : i32 to vector<16xi32>
              %ne3A_140 = arith.cmpi ne, %while3A_137, %ne3A_139 : vector<16xi32>
              %all_reduce_population_count3A_141 = tpu.all_reduce %ne3A_140 {dim = 0 : i64, kind = #tpu.reduction_kind<sum>} : vector<16xi1> -> vector<16xi32>
              %slice3A_142 = vector.extract_strided_slice %all_reduce_population_count3A_141 {offsets = [0], sizes = [1], strides = [1]} : vector<16xi32> to vector<1xi32>
              %squeeze3A_143 = vector.extract %slice3A_142[0] : i32 from vector<1xi32>
              %gt3A_144 = arith.constant 0 : i32
              %gt3A_145 = arith.cmpi sgt, %squeeze3A_143, %gt3A_144 : i32
              scf.condition(%gt3A_145) %while3A_137 : vector<16xi32>
            } do {
            ^bb0(%while3A_137: vector<16xi32>):
              %ne3A_138 = arith.constant 0 : i32
              %ne3A_139 = vector.broadcast %ne3A_138 : i32 to vector<16xi32>
              %ne3A_140 = arith.cmpi ne, %while3A_137, %ne3A_139 : vector<16xi32>
              tpu.vector_store_idx %arg10[%select_n3A], %gather3A_75 masked %ne3A_140 : memref<32768xf32, #tpu.memory_space<vmem>>[vector<16xi32>], vector<16xf32>, vector<16xi1>
              %gather3A_141 = tpu.vector_load_idx %arg10[%select_n3A] : memref<32768xf32, #tpu.memory_space<vmem>>[vector<16xi32>], vector<16xf32>,
              %lt3A_142 = arith.cmpf olt, %gather3A_75, %gather3A_141 : vector<16xf32>
              %and3A_143 = arith.andi %lt3A_67, %lt3A_142 : vector<16xi1>
              %convert_element_type3A_144 = arith.extui %and3A_143 : vector<16xi1> to vector<16xi32>
              scf.yield %convert_element_type3A_144 : vector<16xi32>
            }
            %gather3A_126 = tpu.vector_load_idx %arg10[%select_n3A] : memref<32768xf32, #tpu.memory_space<vmem>>[vector<16xi32>], vector<16xf32>,
            %lt3A_127 = arith.cmpf olt, %gather3A_126, %gather3A_121 : vector<16xf32>
            %and3A_128 = arith.andi %lt3A_67, %lt3A_127 : vector<16xi1>
            %eq3A = arith.cmpf oeq, %gather3A_75, %gather3A_126 : vector<16xf32>
            %and3A_129 = arith.andi %and3A_128, %eq3A : vector<16xi1>
            tpu.vector_store_idx %arg11[%select_n3A], %broadcast_in_dim3A_9 masked %and3A_129 : memref<32768xi32, #tpu.memory_space<vmem>>[vector<16xi32>], vector<16xi32>, vector<16xi1>
            %eq3A_130 = arith.cmpf oeq, %gather3A_75, %gather3A_126 : vector<16xf32>
            %and3A_131 = arith.andi %lt3A_67, %eq3A_130 : vector<16xi1>
            %gather3A_132 = tpu.vector_load_idx %arg11[%select_n3A] : memref<32768xi32, #tpu.memory_space<vmem>>[vector<16xi32>], vector<16xi32>,
            %lt3A_133 = arith.cmpi slt, %add3A_100, %gather3A_132 : vector<16xi32>
            %and3A_134 = arith.andi %and3A_131, %lt3A_133 : vector<16xi1>
            %convert_element_type3A_135 = arith.extui %and3A_134 : vector<16xi1> to vector<16xi32>
            %while3A_136 = scf.while (%while3A_137 = %convert_element_type3A_135) : (vector<16xi32>) -> vector<16xi32> {
              %ne3A_138 = arith.constant 0 : i32
              %ne3A_139 = vector.broadcast %ne3A_138 : i32 to vector<16xi32>
              %ne3A_140 = arith.cmpi ne, %while3A_137, %ne3A_139 : vector<16xi32>
              %all_reduce_population_count3A_141 = tpu.all_reduce %ne3A_140 {dim = 0 : i64, kind = #tpu.reduction_kind<sum>} : vector<16xi1> -> vector<16xi32>
              %slice3A_142 = vector.extract_strided_slice %all_reduce_population_count3A_141 {offsets = [0], sizes = [1], strides = [1]} : vector<16xi32> to vector<1xi32>
              %squeeze3A_143 = vector.extract %slice3A_142[0] : i32 from vector<1xi32>
              %gt3A_144 = arith.constant 0 : i32
              %gt3A_145 = arith.cmpi sgt, %squeeze3A_143, %gt3A_144 : i32
              scf.condition(%gt3A_145) %while3A_137 : vector<16xi32>
            } do {
            ^bb0(%while3A_137: vector<16xi32>):
              %ne3A_138 = arith.constant 0 : i32
              %ne3A_139 = vector.broadcast %ne3A_138 : i32 to vector<16xi32>
              %ne3A_140 = arith.cmpi ne, %while3A_137, %ne3A_139 : vector<16xi32>
              tpu.vector_store_idx %arg11[%select_n3A], %add3A_100 masked %ne3A_140 : memref<32768xi32, #tpu.memory_space<vmem>>[vector<16xi32>], vector<16xi32>, vector<16xi1>
              %gather3A_141 = tpu.vector_load_idx %arg11[%select_n3A] : memref<32768xi32, #tpu.memory_space<vmem>>[vector<16xi32>], vector<16xi32>,
              %lt3A_142 = arith.cmpi slt, %add3A_100, %gather3A_141 : vector<16xi32>
              %and3A_143 = arith.andi %and3A_131, %lt3A_142 : vector<16xi1>
              %convert_element_type3A_144 = arith.extui %and3A_143 : vector<16xi1> to vector<16xi32>
              scf.yield %convert_element_type3A_144 : vector<16xi32>
            }
          } else {
          }
        }
        %while3A_61 = arith.constant 1 : i32
        scf.for %while3A_62 = %while3A_59 to %while3A_55 step %while3A_61  : i32 {
          %mul3A_63 = arith.constant 16 : i32
          %mul3A_64 = arith.muli %while3A_62, %mul3A_63 : i32
          %add3A_65 = vector.broadcast %mul3A_64 : i32 to vector<16xi32>
          %add3A_66 = arith.addi %iota3A, %add3A_65 : vector<16xi32>
          %lt3A = vector.broadcast %scan3A_47 : i32 to vector<16xi32>
          %lt3A_67 = arith.cmpi slt, %add3A_66, %lt3A : vector<16xi32>
          %mul3A_68 = arith.constant 16 : i32
          %mul3A_69 = arith.muli %while3A_62, %mul3A_68 : i32
          %get3A = arith.index_cast %mul3A_69 : i32 to index
          %get3A_70 = tpu.vector_load %arg13[%get3A] {strides = array<i32>} : memref<4112xi32, #tpu.memory_space<vmem>>, vector<16xi32>,
          %and3A_71 = arith.constant 4095 : i32
          %and3A_72 = vector.broadcast %and3A_71 : i32 to vector<16xi32>
          %and3A_73 = arith.andi %get3A_70, %and3A_72 : vector<16xi32>
          %gather3A = tpu.vector_load_idx %arg7[%and3A_73] : memref<4096xf32, #tpu.memory_space<vmem>>[vector<16xi32>], vector<16xf32>,
          %gather3A_74 = tpu.vector_load_idx %arg8[%and3A_73] : memref<4096xf32, #tpu.memory_space<vmem>>[vector<16xi32>], vector<16xf32>,
          %gather3A_75 = tpu.vector_load_idx %arg9[%and3A_73] : memref<4096xf32, #tpu.memory_space<vmem>>[vector<16xi32>], vector<16xf32>,
          %mul3A_76 = arith.constant 5.120000e+02 : f32
          %mul3A_77 = vector.broadcast %mul3A_76 : f32 to vector<16xf32>
          %mul3A_78 = arith.mulf %gather3A, %mul3A_77 : vector<16xf32>
          %convert_element_type3A = arith.fptosi %mul3A_78 : vector<16xf32> to vector<16xi32>
          %jit3A = arith.constant 0 : i32
          %jit3A_79 = arith.constant 511 : i32
          %max3A = vector.broadcast %jit3A : i32 to vector<16xi32>
          %max3A_80 = arith.maxsi %max3A, %convert_element_type3A : vector<16xi32>
          %min3A = vector.broadcast %jit3A_79 : i32 to vector<16xi32>
          %min3A_81 = arith.minsi %min3A, %max3A_80 : vector<16xi32>
          %mul3A_82 = arith.constant 5.120000e+02 : f32
          %mul3A_83 = vector.broadcast %mul3A_82 : f32 to vector<16xf32>
          %mul3A_84 = arith.mulf %gather3A_74, %mul3A_83 : vector<16xf32>
          %convert_element_type3A_85 = arith.fptosi %mul3A_84 : vector<16xf32> to vector<16xi32>
          %jit3A_86 = arith.constant 0 : i32
          %jit3A_87 = arith.constant 511 : i32
          %max3A_88 = vector.broadcast %jit3A_86 : i32 to vector<16xi32>
          %max3A_89 = arith.maxsi %max3A_88, %convert_element_type3A_85 : vector<16xi32>
          %min3A_90 = vector.broadcast %jit3A_87 : i32 to vector<16xi32>
          %min3A_91 = arith.minsi %min3A_90, %max3A_89 : vector<16xi32>
          %mul3A_92 = arith.constant 512 : i32
          %mul3A_93 = vector.broadcast %mul3A_92 : i32 to vector<16xi32>
          %mul3A_94 = arith.muli %min3A_91, %mul3A_93 : vector<16xi32>
          %add3A_95 = arith.addi %mul3A_94, %min3A_81 : vector<16xi32>
          %sub3A = vector.broadcast %mul3A_4 : i32 to vector<16xi32>
          %sub3A_96 = arith.subi %add3A_95, %sub3A : vector<16xi32>
          %jit3A_97 = arith.constant 0 : i32
          %broadcast_in_dim3A_98 = vector.broadcast %jit3A_97 : i32 to vector<16xi32>
          %select_n3A = arith.select %lt3A_67, %sub3A_96, %broadcast_in_dim3A_98 : vector<16xi1>, vector<16xi32>
          %add3A_99 = vector.broadcast %mul3A_39 : i32 to vector<16xi32>
          %add3A_100 = arith.addi %and3A_73, %add3A_99 : vector<16xi32>
          %and3A_101 = arith.constant 4095 : i32
          %and3A_102 = vector.broadcast %and3A_101 : i32 to vector<16xi32>
          %and3A_103 = arith.andi %select_n3A, %and3A_102 : vector<16xi32>
          %add3A_104 = arith.constant 4096 : i32
          %add3A_105 = vector.broadcast %add3A_104 : i32 to vector<16xi32>
          %add3A_106 = arith.addi %add3A_105, %iota3A : vector<16xi32>
          %select_n3A_107 = arith.select %lt3A_67, %and3A_103, %add3A_106 : vector<16xi1>, vector<16xi32>
          tpu.vector_store_idx %arg12[%select_n3A_107], %iota3A : memref<4112xi32, #tpu.memory_space<vmem>>[vector<16xi32>], vector<16xi32>,
          %gather3A_108 = tpu.vector_load_idx %arg12[%select_n3A_107] : memref<4112xi32, #tpu.memory_space<vmem>>[vector<16xi32>], vector<16xi32>,
          %ne3A = arith.cmpi ne, %gather3A_108, %iota3A : vector<16xi32>
          %and3A_109 = arith.andi %lt3A_67, %ne3A : vector<16xi1>
          %convert_element_type3A_110 = arith.extui %and3A_109 : vector<16xi1> to vector<16xi32>
          %ne3A_111 = arith.constant 0 : i32
          %ne3A_112 = vector.broadcast %ne3A_111 : i32 to vector<16xi32>
          %ne3A_113 = arith.cmpi ne, %convert_element_type3A_110, %ne3A_112 : vector<16xi32>
          %all_reduce_population_count3A = tpu.all_reduce %ne3A_113 {dim = 0 : i64, kind = #tpu.reduction_kind<sum>} : vector<16xi1> -> vector<16xi32>
          %slice3A = vector.extract_strided_slice %all_reduce_population_count3A {offsets = [0], sizes = [1], strides = [1]} : vector<16xi32> to vector<1xi32>
          %squeeze3A = vector.extract %slice3A[0] : i32 from vector<1xi32>
          %gt3A = arith.constant 0 : i32
          %gt3A_114 = arith.cmpi sgt, %squeeze3A, %gt3A : i32
          %not3A = arith.constant true
          %not3A_115 = arith.xori %gt3A_114, %not3A : i1
          %convert_element_type3A_116 = arith.extui %not3A_115 : i1 to i32
          %cond3A = arith.constant 0 : i32
          %cond3A_117 = arith.cmpi ne, %convert_element_type3A_116, %cond3A : i32
          scf.if %cond3A_117 {
            %gather3A_121 = tpu.vector_load_idx %arg10[%select_n3A] : memref<32768xf32, #tpu.memory_space<vmem>>[vector<16xi32>], vector<16xf32>,
            %gather3A_122 = tpu.vector_load_idx %arg11[%select_n3A] : memref<32768xi32, #tpu.memory_space<vmem>>[vector<16xi32>], vector<16xi32>,
            %lt3A_123 = arith.cmpf olt, %gather3A_75, %gather3A_121 : vector<16xf32>
            %eq3A = arith.cmpf oeq, %gather3A_75, %gather3A_121 : vector<16xf32>
            %lt3A_124 = arith.cmpi slt, %add3A_100, %gather3A_122 : vector<16xi32>
            %and3A_125 = arith.andi %eq3A, %lt3A_124 : vector<16xi1>
            %or3A = arith.ori %lt3A_123, %and3A_125 : vector<16xi1>
            %and3A_126 = arith.andi %lt3A_67, %or3A : vector<16xi1>
            tpu.vector_store_idx %arg10[%select_n3A], %gather3A_75 masked %and3A_126 : memref<32768xf32, #tpu.memory_space<vmem>>[vector<16xi32>], vector<16xf32>, vector<16xi1>
            tpu.vector_store_idx %arg11[%select_n3A], %add3A_100 masked %and3A_126 : memref<32768xi32, #tpu.memory_space<vmem>>[vector<16xi32>], vector<16xi32>, vector<16xi1>
          } else {
          }
          %convert_element_type3A_118 = arith.extui %gt3A_114 : i1 to i32
          %cond3A_119 = arith.constant 0 : i32
          %cond3A_120 = arith.cmpi ne, %convert_element_type3A_118, %cond3A_119 : i32
          scf.if %cond3A_120 {
            %gather3A_121 = tpu.vector_load_idx %arg10[%select_n3A] : memref<32768xf32, #tpu.memory_space<vmem>>[vector<16xi32>], vector<16xf32>,
            %lt3A_122 = arith.cmpf olt, %gather3A_75, %gather3A_121 : vector<16xf32>
            %and3A_123 = arith.andi %lt3A_67, %lt3A_122 : vector<16xi1>
            %convert_element_type3A_124 = arith.extui %and3A_123 : vector<16xi1> to vector<16xi32>
            %while3A_125 = scf.while (%while3A_137 = %convert_element_type3A_124) : (vector<16xi32>) -> vector<16xi32> {
              %ne3A_138 = arith.constant 0 : i32
              %ne3A_139 = vector.broadcast %ne3A_138 : i32 to vector<16xi32>
              %ne3A_140 = arith.cmpi ne, %while3A_137, %ne3A_139 : vector<16xi32>
              %all_reduce_population_count3A_141 = tpu.all_reduce %ne3A_140 {dim = 0 : i64, kind = #tpu.reduction_kind<sum>} : vector<16xi1> -> vector<16xi32>
              %slice3A_142 = vector.extract_strided_slice %all_reduce_population_count3A_141 {offsets = [0], sizes = [1], strides = [1]} : vector<16xi32> to vector<1xi32>
              %squeeze3A_143 = vector.extract %slice3A_142[0] : i32 from vector<1xi32>
              %gt3A_144 = arith.constant 0 : i32
              %gt3A_145 = arith.cmpi sgt, %squeeze3A_143, %gt3A_144 : i32
              scf.condition(%gt3A_145) %while3A_137 : vector<16xi32>
            } do {
            ^bb0(%while3A_137: vector<16xi32>):
              %ne3A_138 = arith.constant 0 : i32
              %ne3A_139 = vector.broadcast %ne3A_138 : i32 to vector<16xi32>
              %ne3A_140 = arith.cmpi ne, %while3A_137, %ne3A_139 : vector<16xi32>
              tpu.vector_store_idx %arg10[%select_n3A], %gather3A_75 masked %ne3A_140 : memref<32768xf32, #tpu.memory_space<vmem>>[vector<16xi32>], vector<16xf32>, vector<16xi1>
              %gather3A_141 = tpu.vector_load_idx %arg10[%select_n3A] : memref<32768xf32, #tpu.memory_space<vmem>>[vector<16xi32>], vector<16xf32>,
              %lt3A_142 = arith.cmpf olt, %gather3A_75, %gather3A_141 : vector<16xf32>
              %and3A_143 = arith.andi %lt3A_67, %lt3A_142 : vector<16xi1>
              %convert_element_type3A_144 = arith.extui %and3A_143 : vector<16xi1> to vector<16xi32>
              scf.yield %convert_element_type3A_144 : vector<16xi32>
            }
            %gather3A_126 = tpu.vector_load_idx %arg10[%select_n3A] : memref<32768xf32, #tpu.memory_space<vmem>>[vector<16xi32>], vector<16xf32>,
            %lt3A_127 = arith.cmpf olt, %gather3A_126, %gather3A_121 : vector<16xf32>
            %and3A_128 = arith.andi %lt3A_67, %lt3A_127 : vector<16xi1>
            %eq3A = arith.cmpf oeq, %gather3A_75, %gather3A_126 : vector<16xf32>
            %and3A_129 = arith.andi %and3A_128, %eq3A : vector<16xi1>
            tpu.vector_store_idx %arg11[%select_n3A], %broadcast_in_dim3A_9 masked %and3A_129 : memref<32768xi32, #tpu.memory_space<vmem>>[vector<16xi32>], vector<16xi32>, vector<16xi1>
            %eq3A_130 = arith.cmpf oeq, %gather3A_75, %gather3A_126 : vector<16xf32>
            %and3A_131 = arith.andi %lt3A_67, %eq3A_130 : vector<16xi1>
            %gather3A_132 = tpu.vector_load_idx %arg11[%select_n3A] : memref<32768xi32, #tpu.memory_space<vmem>>[vector<16xi32>], vector<16xi32>,
            %lt3A_133 = arith.cmpi slt, %add3A_100, %gather3A_132 : vector<16xi32>
            %and3A_134 = arith.andi %and3A_131, %lt3A_133 : vector<16xi1>
            %convert_element_type3A_135 = arith.extui %and3A_134 : vector<16xi1> to vector<16xi32>
            %while3A_136 = scf.while (%while3A_137 = %convert_element_type3A_135) : (vector<16xi32>) -> vector<16xi32> {
              %ne3A_138 = arith.constant 0 : i32
              %ne3A_139 = vector.broadcast %ne3A_138 : i32 to vector<16xi32>
              %ne3A_140 = arith.cmpi ne, %while3A_137, %ne3A_139 : vector<16xi32>
              %all_reduce_population_count3A_141 = tpu.all_reduce %ne3A_140 {dim = 0 : i64, kind = #tpu.reduction_kind<sum>} : vector<16xi1> -> vector<16xi32>
              %slice3A_142 = vector.extract_strided_slice %all_reduce_population_count3A_141 {offsets = [0], sizes = [1], strides = [1]} : vector<16xi32> to vector<1xi32>
              %squeeze3A_143 = vector.extract %slice3A_142[0] : i32 from vector<1xi32>
              %gt3A_144 = arith.constant 0 : i32
              %gt3A_145 = arith.cmpi sgt, %squeeze3A_143, %gt3A_144 : i32
              scf.condition(%gt3A_145) %while3A_137 : vector<16xi32>
            } do {
            ^bb0(%while3A_137: vector<16xi32>):
              %ne3A_138 = arith.constant 0 : i32
              %ne3A_139 = vector.broadcast %ne3A_138 : i32 to vector<16xi32>
              %ne3A_140 = arith.cmpi ne, %while3A_137, %ne3A_139 : vector<16xi32>
              tpu.vector_store_idx %arg11[%select_n3A], %add3A_100 masked %ne3A_140 : memref<32768xi32, #tpu.memory_space<vmem>>[vector<16xi32>], vector<16xi32>, vector<16xi1>
              %gather3A_141 = tpu.vector_load_idx %arg11[%select_n3A] : memref<32768xi32, #tpu.memory_space<vmem>>[vector<16xi32>], vector<16xi32>,
              %lt3A_142 = arith.cmpi slt, %add3A_100, %gather3A_141 : vector<16xi32>
              %and3A_143 = arith.andi %and3A_131, %lt3A_142 : vector<16xi1>
              %convert_element_type3A_144 = arith.extui %and3A_143 : vector<16xi1> to vector<16xi32>
              scf.yield %convert_element_type3A_144 : vector<16xi32>
            }
          } else {
          }
        }
      }
      %scan3A_30 = arith.constant 32 : i32
      %scan3A_31 = arith.constant 0 : i32
      %scan3A_32 = arith.constant 0 : i32
      %scan3A_33 = arith.constant 4 : i32
      %scan3A_34 = arith.addi %scan3A_32, %scan3A_33 : i32
      %scan3A_35 = arith.constant 1 : i32
      scf.for %scan3A_37 = %scan3A_32 to %scan3A_34 step %scan3A_35  : i32 {
        %mul3A_38 = arith.constant 8192 : i32
        %mul3A_39 = arith.muli %scan3A_37, %mul3A_38 : i32
        %scan3A_40 = arith.constant 0 : i32
        %scan3A_41 = arith.constant 0 : i32
        %scan3A_42 = arith.constant 512 : i32
        %scan3A_43 = arith.addi %scan3A_41, %scan3A_42 : i32
        %scan3A_44 = arith.constant 1 : i32
        scf.for %scan3A_55 = %scan3A_41 to %scan3A_43 step %scan3A_44  : i32 {
          %mul3A_56 = arith.constant 16 : i32
          %mul3A_57 = arith.muli %scan3A_55, %mul3A_56 : i32
          %add3A_58 = arith.addi %mul3A_39, %mul3A_57 : i32
          %shift_right_arithmetic3A_59 = arith.constant 5 : i32
          %shift_right_arithmetic3A_60 = arith.shrsi %scan3A_55, %shift_right_arithmetic3A_59 : i32
          %and3A_61 = arith.constant 31 : i32
          %and3A_62 = arith.andi %scan3A_55, %and3A_61 : i32
          %mul3A_63 = arith.constant 16 : i32
          %mul3A_64 = arith.muli %and3A_62, %mul3A_63 : i32
          %get3A = arith.index_cast %add3A_58 : i32 to index
          %get3A_65 = tpu.vector_load %arg11[%get3A] {strides = array<i32>} : memref<32768xi32, #tpu.memory_space<vmem>>, vector<16xi32>,
          %get3A_66 = arith.index_cast %add3A_58 : i32 to index
          %get3A_67 = tpu.vector_load %arg10[%get3A_66] {strides = array<i32>} : memref<32768xf32, #tpu.memory_space<vmem>>, vector<16xf32>,
          %lt3A = arith.constant 131072 : i32
          %lt3A_68 = vector.broadcast %lt3A : i32 to vector<16xi32>
          %lt3A_69 = arith.cmpi slt, %get3A_65, %lt3A_68 : vector<16xi32>
          %add3A_70 = arith.addi %mul3A_4, %add3A_58 : i32
          %add3A_71 = vector.broadcast %add3A_70 : i32 to vector<16xi32>
          %add3A_72 = arith.addi %iota3A, %add3A_71 : vector<16xi32>
          %and3A_73 = arith.constant 131071 : i32
          %and3A_74 = vector.broadcast %and3A_73 : i32 to vector<16xi32>
          %and3A_75 = arith.andi %add3A_72, %and3A_74 : vector<16xi32>
          %select_n3A = arith.select %lt3A_69, %get3A_65, %and3A_75 : vector<16xi1>, vector<16xi32>
          %mul3A_76 = arith.constant 16 : i32
          %mul3A_77 = arith.muli %scan3A_55, %mul3A_76 : i32
          %swap3A = arith.index_cast %mul3A_77 : i32 to index
          %swap3A_78 = tpu.vector_load %arg14[%swap3A] {strides = array<i32>} : memref<8192xi32, #tpu.memory_space<vmem>>, vector<16xi32>,
          tpu.vector_store %arg14[%swap3A], %select_n3A {strides = array<i32>} : memref<8192xi32, #tpu.memory_space<vmem>>, vector<16xi32>,
          %jit3A = arith.constant 0.000000e+00 : f32
          %broadcast_in_dim3A_79 = vector.broadcast %jit3A : f32 to vector<16xf32>
          %select_n3A_80 = arith.select %lt3A_69, %get3A_67, %broadcast_in_dim3A_79 : vector<16xi1>, vector<16xf32>
          %swap3A_81 = arith.index_cast %shift_right_arithmetic3A_60 : i32 to index
          %swap3A_82 = arith.index_cast %mul3A_64 : i32 to index
          %swap3A_83 = tpu.vector_load %arg16[%swap3A_81, %swap3A_82] {strides = array<i32>} : memref<16x512xf32, #tpu.memory_space<vmem>>, vector<16xf32>,
          tpu.vector_store %arg16[%swap3A_81, %swap3A_82], %select_n3A_80 {strides = array<i32>} : memref<16x512xf32, #tpu.memory_space<vmem>>, vector<16xf32>,
          %jit3A_84 = arith.constant -1 : i32
          %broadcast_in_dim3A_85 = vector.broadcast %jit3A_84 : i32 to vector<16xi32>
          %select_n3A_86 = arith.select %lt3A_69, %get3A_65, %broadcast_in_dim3A_85 : vector<16xi1>, vector<16xi32>
          %swap3A_87 = arith.index_cast %shift_right_arithmetic3A_60 : i32 to index
          %swap3A_88 = arith.index_cast %mul3A_64 : i32 to index
          %swap3A_89 = tpu.vector_load %arg17[%swap3A_87, %swap3A_88] {strides = array<i32>} : memref<16x512xi32, #tpu.memory_space<vmem>>, vector<16xi32>,
          tpu.vector_store %arg17[%swap3A_87, %swap3A_88], %select_n3A_86 {strides = array<i32>} : memref<16x512xi32, #tpu.memory_space<vmem>>, vector<16xi32>,
        }
        %scan3A_45 = arith.constant 512 : i32
        %mul3A_46 = arith.constant 16 : i32
        %mul3A_47 = arith.muli %scan3A_37, %mul3A_46 : i32
        %add3A_48 = arith.addi %mul3A_6, %mul3A_47 : i32
        "tpu.region"() ({
          %run_scoped3A = tpu.sem_alloc : memref<!tpu.dma_semaphore, #tpu.memory_space<semaphore_mem>>
          %dma_start3A = arith.constant 0 : i32
          %dma_start3A_55 = tpu.memref_slice %arg4[%add3A_18, %add3A_48, %dma_start3A] : memref<8x512x512xf32, #tpu.memory_space<hbm>> -> memref<1x16x512xf32, #tpu.memory_space<hbm>>
          %dma_start3A_56 = tpu.memref_squeeze %dma_start3A_55 : memref<1x16x512xf32, #tpu.memory_space<hbm>> -> memref<16x512xf32, #tpu.memory_space<hbm>>
          %dma_start3A_57 = arith.constant 0 : i32
          %dma_start3A_58 = tpu.memref_slice %arg4[%add3A_18, %add3A_48, %dma_start3A_57] : memref<8x512x512xf32, #tpu.memory_space<hbm>> -> memref<1x16x512xf32, #tpu.memory_space<hbm>>
          %dma_start3A_59 = tpu.memref_squeeze %dma_start3A_58 : memref<1x16x512xf32, #tpu.memory_space<hbm>> -> memref<16x512xf32, #tpu.memory_space<hbm>>
          tpu.enqueue_dma source(%arg16 : memref<16x512xf32, #tpu.memory_space<vmem>>) target(%dma_start3A_59 : memref<16x512xf32, #tpu.memory_space<hbm>>) target_semaphore(%run_scoped3A : memref<!tpu.dma_semaphore, #tpu.memory_space<semaphore_mem>>)
          %dma_wait3A = arith.constant 0 : i32
          %dma_wait3A_60 = tpu.memref_slice %arg4[%add3A_18, %add3A_48, %dma_wait3A] : memref<8x512x512xf32, #tpu.memory_space<hbm>> -> memref<1x16x512xf32, #tpu.memory_space<hbm>>
          %dma_wait3A_61 = tpu.memref_squeeze %dma_wait3A_60 : memref<1x16x512xf32, #tpu.memory_space<hbm>> -> memref<16x512xf32, #tpu.memory_space<hbm>>
          %dma_wait3A_62 = arith.constant 0 : i32
          %dma_wait3A_63 = tpu.memref_slice %arg4[%add3A_18, %add3A_48, %dma_wait3A_62] : memref<8x512x512xf32, #tpu.memory_space<hbm>> -> memref<1x16x512xf32, #tpu.memory_space<hbm>>
          %dma_wait3A_64 = tpu.memref_squeeze %dma_wait3A_63 : memref<1x16x512xf32, #tpu.memory_space<hbm>> -> memref<16x512xf32, #tpu.memory_space<hbm>>
          tpu.wait_dma2 semaphore(%run_scoped3A : memref<!tpu.dma_semaphore, #tpu.memory_space<semaphore_mem>>) src(%arg16 : memref<16x512xf32, #tpu.memory_space<vmem>>) dst(%dma_wait3A_64 : memref<16x512xf32, #tpu.memory_space<hbm>>)
          tpu.yield
        }) : () -> ()
        "tpu.region"() ({
          %run_scoped3A = tpu.sem_alloc : memref<!tpu.dma_semaphore, #tpu.memory_space<semaphore_mem>>
          %dma_start3A = arith.constant 0 : i32
          %dma_start3A_55 = tpu.memref_slice %arg6[%add3A_18, %add3A_48, %dma_start3A] : memref<8x512x512xi32, #tpu.memory_space<hbm>> -> memref<1x16x512xi32, #tpu.memory_space<hbm>>
          %dma_start3A_56 = tpu.memref_squeeze %dma_start3A_55 : memref<1x16x512xi32, #tpu.memory_space<hbm>> -> memref<16x512xi32, #tpu.memory_space<hbm>>
          %dma_start3A_57 = arith.constant 0 : i32
          %dma_start3A_58 = tpu.memref_slice %arg6[%add3A_18, %add3A_48, %dma_start3A_57] : memref<8x512x512xi32, #tpu.memory_space<hbm>> -> memref<1x16x512xi32, #tpu.memory_space<hbm>>
          %dma_start3A_59 = tpu.memref_squeeze %dma_start3A_58 : memref<1x16x512xi32, #tpu.memory_space<hbm>> -> memref<16x512xi32, #tpu.memory_space<hbm>>
          tpu.enqueue_dma source(%arg17 : memref<16x512xi32, #tpu.memory_space<vmem>>) target(%dma_start3A_59 : memref<16x512xi32, #tpu.memory_space<hbm>>) target_semaphore(%run_scoped3A : memref<!tpu.dma_semaphore, #tpu.memory_space<semaphore_mem>>)
          %dma_wait3A = arith.constant 0 : i32
          %dma_wait3A_60 = tpu.memref_slice %arg6[%add3A_18, %add3A_48, %dma_wait3A] : memref<8x512x512xi32, #tpu.memory_space<hbm>> -> memref<1x16x512xi32, #tpu.memory_space<hbm>>
          %dma_wait3A_61 = tpu.memref_squeeze %dma_wait3A_60 : memref<1x16x512xi32, #tpu.memory_space<hbm>> -> memref<16x512xi32, #tpu.memory_space<hbm>>
          %dma_wait3A_62 = arith.constant 0 : i32
          %dma_wait3A_63 = tpu.memref_slice %arg6[%add3A_18, %add3A_48, %dma_wait3A_62] : memref<8x512x512xi32, #tpu.memory_space<hbm>> -> memref<1x16x512xi32, #tpu.memory_space<hbm>>
          %dma_wait3A_64 = tpu.memref_squeeze %dma_wait3A_63 : memref<1x16x512xi32, #tpu.memory_space<hbm>> -> memref<16x512xi32, #tpu.memory_space<hbm>>
          tpu.wait_dma2 semaphore(%run_scoped3A : memref<!tpu.dma_semaphore, #tpu.memory_space<semaphore_mem>>) src(%arg17 : memref<16x512xi32, #tpu.memory_space<vmem>>) dst(%dma_wait3A_64 : memref<16x512xi32, #tpu.memory_space<hbm>>)
          tpu.yield
        }) : () -> ()
        %scan3A_49 = arith.constant 0 : i32
        %scan3A_50 = arith.constant 0 : i32
        %scan3A_51 = arith.constant 3 : i32
        %scan3A_52 = arith.addi %scan3A_50, %scan3A_51 : i32
        %scan3A_53 = arith.constant 1 : i32
        scf.for %scan3A_55 = %scan3A_50 to %scan3A_52 step %scan3A_53  : i32 {
          %dma_start3A = arith.constant 0 : i32
          %dma_start3A_56 = tpu.memref_slice %arg3[%add3A_18, %scan3A_55, %dma_start3A] : memref<8x3x131072xf32, #tpu.memory_space<hbm>> -> memref<1x1x131072xf32, #tpu.memory_space<hbm>>
          %dma_start3A_57 = tpu.memref_squeeze %dma_start3A_56 : memref<1x1x131072xf32, #tpu.memory_space<hbm>> -> memref<131072xf32, #tpu.memory_space<hbm>>
          %dma_start3A_58 = arith.constant 0 : i32
          %dma_start3A_59 = tpu.memref_slice %dma_start3A_57[%dma_start3A_58] : memref<131072xf32, #tpu.memory_space<hbm>> -> memref<131072xf32, #tpu.memory_space<hbm>>
          tpu.enqueue_indirect_dma source(%dma_start3A_59 : memref<131072xf32, #tpu.memory_space<hbm>>) target(%arg15 : memref<8192xf32, #tpu.memory_space<vmem>>) offsets(%arg14 : memref<8192xi32, #tpu.memory_space<vmem>>) semaphore(%arg18 : memref<!tpu.dma_semaphore, #tpu.memory_space<semaphore_mem>>)
          %dma_wait3A = arith.constant 0 : i32
          %dma_wait3A_60 = tpu.memref_slice %arg3[%add3A_18, %scan3A_55, %dma_wait3A] : memref<8x3x131072xf32, #tpu.memory_space<hbm>> -> memref<1x1x131072xf32, #tpu.memory_space<hbm>>
          %dma_wait3A_61 = tpu.memref_squeeze %dma_wait3A_60 : memref<1x1x131072xf32, #tpu.memory_space<hbm>> -> memref<131072xf32, #tpu.memory_space<hbm>>
          %dma_wait3A_62 = arith.constant 0 : i32
          %dma_wait3A_63 = tpu.memref_slice %dma_wait3A_61[%dma_wait3A_62] : memref<131072xf32, #tpu.memory_space<hbm>> -> memref<131072xf32, #tpu.memory_space<hbm>>
          tpu.wait_indirect_dma semaphore(%arg18 : memref<!tpu.dma_semaphore, #tpu.memory_space<semaphore_mem>>) src(%dma_wait3A_63 : memref<131072xf32, #tpu.memory_space<hbm>>) dst(%arg15 : memref<8192xf32, #tpu.memory_space<vmem>>)
          %scan3A_64 = arith.constant 0 : i32
          %scan3A_65 = arith.constant 0 : i32
          %scan3A_66 = arith.constant 512 : i32
          %scan3A_67 = arith.addi %scan3A_65, %scan3A_66 : i32
          %scan3A_68 = arith.constant 1 : i32
          scf.for %scan3A_70 = %scan3A_65 to %scan3A_67 step %scan3A_68  : i32 {
            %shift_right_arithmetic3A_71 = arith.constant 5 : i32
            %shift_right_arithmetic3A_72 = arith.shrsi %scan3A_70, %shift_right_arithmetic3A_71 : i32
            %and3A_73 = arith.constant 31 : i32
            %and3A_74 = arith.andi %scan3A_70, %and3A_73 : i32
            %mul3A_75 = arith.constant 16 : i32
            %mul3A_76 = arith.muli %and3A_74, %mul3A_75 : i32
            %mul3A_77 = arith.constant 16 : i32
            %mul3A_78 = arith.muli %scan3A_70, %mul3A_77 : i32
            %get3A = arith.index_cast %mul3A_78 : i32 to index
            %get3A_79 = tpu.vector_load %arg15[%get3A] {strides = array<i32>} : memref<8192xf32, #tpu.memory_space<vmem>>, vector<16xf32>,
            %get3A_80 = arith.index_cast %shift_right_arithmetic3A_72 : i32 to index
            %get3A_81 = arith.index_cast %mul3A_76 : i32 to index
            %get3A_82 = tpu.vector_load %arg17[%get3A_80, %get3A_81] {strides = array<i32>} : memref<16x512xi32, #tpu.memory_space<vmem>>, vector<16xi32>,
            %ge3A = arith.constant 0 : i32
            %ge3A_83 = vector.broadcast %ge3A : i32 to vector<16xi32>
            %ge3A_84 = arith.cmpi sge, %get3A_82, %ge3A_83 : vector<16xi32>
            %jit3A = arith.constant 0.000000e+00 : f32
            %broadcast_in_dim3A_85 = vector.broadcast %jit3A : f32 to vector<16xf32>
            %select_n3A = arith.select %ge3A_84, %get3A_79, %broadcast_in_dim3A_85 : vector<16xi1>, vector<16xf32>
            %swap3A = arith.index_cast %shift_right_arithmetic3A_72 : i32 to index
            %swap3A_86 = arith.index_cast %mul3A_76 : i32 to index
            %swap3A_87 = tpu.vector_load %arg16[%swap3A, %swap3A_86] {strides = array<i32>} : memref<16x512xf32, #tpu.memory_space<vmem>>, vector<16xf32>,
            tpu.vector_store %arg16[%swap3A, %swap3A_86], %select_n3A {strides = array<i32>} : memref<16x512xf32, #tpu.memory_space<vmem>>, vector<16xf32>,
          }
          %scan3A_69 = arith.constant 512 : i32
          "tpu.region"() ({
            %run_scoped3A = tpu.sem_alloc : memref<!tpu.dma_semaphore, #tpu.memory_space<semaphore_mem>>
            %dma_start3A_70 = arith.constant 0 : i32
            %dma_start3A_71 = tpu.memref_slice %arg5[%add3A_18, %scan3A_55, %add3A_48, %dma_start3A_70] : memref<8x3x512x512xf32, #tpu.memory_space<hbm>> -> memref<1x1x16x512xf32, #tpu.memory_space<hbm>>
            %dma_start3A_72 = tpu.memref_squeeze %dma_start3A_71 : memref<1x1x16x512xf32, #tpu.memory_space<hbm>> -> memref<16x512xf32, #tpu.memory_space<hbm>>
            %dma_start3A_73 = arith.constant 0 : i32
            %dma_start3A_74 = tpu.memref_slice %arg5[%add3A_18, %scan3A_55, %add3A_48, %dma_start3A_73] : memref<8x3x512x512xf32, #tpu.memory_space<hbm>> -> memref<1x1x16x512xf32, #tpu.memory_space<hbm>>
            %dma_start3A_75 = tpu.memref_squeeze %dma_start3A_74 : memref<1x1x16x512xf32, #tpu.memory_space<hbm>> -> memref<16x512xf32, #tpu.memory_space<hbm>>
            tpu.enqueue_dma source(%arg16 : memref<16x512xf32, #tpu.memory_space<vmem>>) target(%dma_start3A_75 : memref<16x512xf32, #tpu.memory_space<hbm>>) target_semaphore(%run_scoped3A : memref<!tpu.dma_semaphore, #tpu.memory_space<semaphore_mem>>)
            %dma_wait3A_76 = arith.constant 0 : i32
            %dma_wait3A_77 = tpu.memref_slice %arg5[%add3A_18, %scan3A_55, %add3A_48, %dma_wait3A_76] : memref<8x3x512x512xf32, #tpu.memory_space<hbm>> -> memref<1x1x16x512xf32, #tpu.memory_space<hbm>>
            %dma_wait3A_78 = tpu.memref_squeeze %dma_wait3A_77 : memref<1x1x16x512xf32, #tpu.memory_space<hbm>> -> memref<16x512xf32, #tpu.memory_space<hbm>>
            %dma_wait3A_79 = arith.constant 0 : i32
            %dma_wait3A_80 = tpu.memref_slice %arg5[%add3A_18, %scan3A_55, %add3A_48, %dma_wait3A_79] : memref<8x3x512x512xf32, #tpu.memory_space<hbm>> -> memref<1x1x16x512xf32, #tpu.memory_space<hbm>>
            %dma_wait3A_81 = tpu.memref_squeeze %dma_wait3A_80 : memref<1x1x16x512xf32, #tpu.memory_space<hbm>> -> memref<16x512xf32, #tpu.memory_space<hbm>>
            tpu.wait_dma2 semaphore(%run_scoped3A : memref<!tpu.dma_semaphore, #tpu.memory_space<semaphore_mem>>) src(%arg16 : memref<16x512xf32, #tpu.memory_space<vmem>>) dst(%dma_wait3A_81 : memref<16x512xf32, #tpu.memory_space<hbm>>)
            tpu.yield
          }) : () -> ()
        }
        %scan3A_54 = arith.constant 3 : i32
      }
      %scan3A_36 = arith.constant 4 : i32
    }
    %scan3A_14 = arith.constant 2 : i32
    return
  }
}

</mosaic_0001>

<sc_bundles>
// kernel: kernel.3.cloned.1.call-start
scs
__scs_entry_jumppad:
0x0: {  	(pc) =	sbr.rel $0x88, $3  }
0x1: {  	(tag) =	ssettag $0x0;
	lr =	simm.s32 $0x1  }
0x2: {  	[smem:$0x3F9F] =	sst lr;
	_ =	strace $0xD0000000  }
0x3: {  	_ = 	snop  }
0x4: {  	_ = 	snop  }
0x5: {  	_ = 	snop  }
0x6: {  	_ = 	snop  }
0x7: {  	_ = 	snop  }
__scs_overlays_trampoline_lowered:
0x8: {  	[smem:$0x3FAE] =	sst s0  }
0x9: {  	[smem:$0x3FAF] =	sst s1  }
0xa: {  	[smem:$0x3FB0] =	sst s2  }
0xb: {  	[smem:$0x3FB1] =	sst s3  }
0xc: {  	[smem:$0x3FB2] =	sst s4  }
0xd: {  	[smem:$0x3FB3] =	sst s5  }
0xe: {  	[smem:$0x3FB4] =	sst s6  }
0xf: {  	[smem:$0x3FB5] =	sst s7  }
0x10: {  	[smem:$0x3FB6] =	sst s8  }
0x11: {  	[smem:$0x3FB7] =	sst s9;
	s0 =	simm.s32 @!p0 $0x0  }
0x12: {  	s1 =	sld [smem:$0x3F9D];
	s0 =	simm.s32 @p0 $0x1  }
0x13: {  	[smem:$0x3FB8] =	sst s0;
	s0 =	simm.s32 @!p1 $0x0  }
0x14: {  	s2 =	sld [smem:$0x3F9C];
	s0 =	simm.s32 @p1 $0x1  }
0x15: {  	[smem:$0x3FB9] =	sst s0;
	s0 =	simm.s32 @!p2 $0x0  }
0x16: {  	s3 =	sld [smem:$0x3FDB];
	s0 =	simm.s32 @p2 $0x1  }
0x17: {  	s4 =	simm.s32 $0x1BF5;
	[smem:$0x3FBB] =	sst s0  }
0x18: {  	s0 =	sld [smem:$0x3F9E];
	_ =	swait.ge [sflag:s4], $0x0  }
0x19: {  	s7 =	sld [smem:$0x3F9F]  }
0x1a: {  	s8 =	sadd.s32 $0xFFFFE003, lr  }
0x1b: {  	s9 =	sadd.s32 $0xFFFFFEF7, lr;
	s5 =	simm.s32 $0xFFFFFFFF;
	p2 =	slt.u32 s8, $0xFFFFF086  }
0x1c: {  	p1 =	slt.u32 s9, $0xF7A;
	s5 =	simm.s32 @!p2 $0x0  }
0x1d: {  	s5 =	simm.s32 @p1 $0x1;
	p0 =	seq.s32 s7, s2  }
0x1e: {  	s7 =	smul.u32 @!p0 $0xF7A, s2;
	p2 =	seq.s32 @!p0 s5, $0x0  }
0x1f: {  	s9 =	smul.u32 $0xF7A, s1;
	s8 =	simm.s32 @!p0 $0x1BF5;
	p2 =	por !p2, p0  }
0x20: {  	[sflag:s8] =	ssyncset.s32 @!p0 $0xFFFFF086;
	s6 =	sadd.s32 @!p0 s3, s7;
	s7 =	simm.s32 @!p0 $0x108  }
0x21: {  	s3 =	sadd.s32 s3, s9;
	s6 =	sadd.s32 @!p0 $0x88, s6;
	s7 =	simm.s32 @p2 $0x1082  }
0x22: {  	[simem:s7], [sflag:s8] =	dma.local @!p0 [hbm:s6], $0xF7A  }
0x23: {  	s9 =	sor.u32 $0xD0000000, s2;
	s6 =	simm.s32 $0x108;
	_ =	swait.ge @!p0 [sflag:s8], $0x0  }
0x24: {  	s3 =	sadd.s32 $0x88, s3;
	s6 =	simm.s32 @!p1 $0x1082;
	[sflag:s4] =	ssyncset.s32 $0xFFFFF086  }
0x25: {  	[simem:s6], [sflag:s4] =	dma.local [hbm:s3], $0xF7A  }
0x26: {  	[smem:$0x3F9F] =	sst s1;
	(tag) =	ssettag s2;
	_ =	strace s9  }
0x27: {  	s1 =	sld [smem:$0x3FAF]  }
0x28: {  	s2 =	sld [smem:$0x3FB0]  }
0x29: {  	s4 =	sld [smem:$0x3FB2]  }
0x2a: {  	p0 =	seq.s32 s5, $0x0;
	s5 =	sld [smem:$0x3FB3]  }
0x2b: {  	s6 =	sld [smem:$0x3FB4]  }
0x2c: {  	s7 =	sld [smem:$0x3FB5]  }
0x2d: {  	s3 =	simm.s32 $0x108;
	s8 =	sld [smem:$0x3FB6]  }
0x2e: {  	s3 =	simm.s32 @!p0 $0x1082;
	s9 =	sld [smem:$0x3FB7]  }
0x2f: {  	lr =	sadd.s32 s0, s3;
	s0 =	sld [smem:$0x3FAE]  }
0x30: {  	s3 =	sld [smem:$0x3FB1]  }
0x31: {  	[smem:$0x3FBA] =	sst s10  }
0x32: {  	s10 =	sld [smem:$0x3FB8];
	_ =	sdelay $0x3  }
0x33: {  	p0 =	seq.s32 s10, $0x1;
	s10 =	sld [smem:$0x3FBA];
	_ =	sdelay $0x3  }
0x34: {  	[smem:$0x3FBA] =	sst s10  }
0x35: {  	s10 =	sld [smem:$0x3FB9];
	_ =	sdelay $0x3  }
0x36: {  	p1 =	seq.s32 s10, $0x1;
	s10 =	sld [smem:$0x3FBA];
	_ =	sdelay $0x3  }
0x37: {  	[smem:$0x3FBA] =	sst s10  }
0x38: {  	s10 =	sld [smem:$0x3FBB]  }
0x39: {  	_ = 	snop;
	(pc) =	sbr.ind lr, $3  }
0x3a: {  	_ = 	snop  }
0x3b: {  	_ = 	snop  }
0x3c: {  	p2 =	seq.s32 s10, $0x1;
	s10 =	sld [smem:$0x3FBA]  }
0x3d: {  	_ =	shalt  }
0x3e: {  	_ =	shalt  }
0x3f: {  	_ =	shalt  }
0x40: {  	_ =	shalt  }
0x41: {  	_ =	shalt  }
0x42: {  	_ =	shalt  }
0x43: {  	_ =	shalt  }
0x44: {  	_ =	shalt  }
0x45: {  	_ =	shalt  }
0x46: {  	_ =	shalt  }
0x47: {  	_ =	shalt  }
0x48: {  	_ =	shalt  }
0x49: {  	_ =	shalt  }
0x4a: {  	_ =	shalt  }
0x4b: {  	_ =	shalt  }
0x4c: {  	_ =	shalt  }
0x4d: {  	_ =	shalt  }
0x4e: {  	_ =	shalt  }
0x4f: {  	_ =	shalt  }
0x50: {  	_ =	shalt  }
0x51: {  	_ =	shalt  }
0x52: {  	_ =	shalt  }
0x53: {  	_ =	shalt  }
0x54: {  	_ =	shalt  }
0x55: {  	_ =	shalt  }
0x56: {  	_ =	shalt  }
0x57: {  	_ =	shalt  }
0x58: {  	_ =	shalt  }
0x59: {  	_ =	shalt  }
0x5a: {  	_ =	shalt  }
0x5b: {  	_ =	shalt  }
0x5c: {  	_ =	shalt  }
0x5d: {  	_ =	shalt  }
0x5e: {  	_ =	shalt  }
0x5f: {  	_ =	shalt  }
0x60: {  	_ =	shalt  }
0x61: {  	_ =	shalt  }
0x62: {  	_ =	shalt  }
0x63: {  	_ =	shalt  }
0x64: {  	_ =	shalt  }
0x65: {  	_ =	shalt  }
0x66: {  	_ =	shalt  }
0x67: {  	_ =	shalt  }
0x68: {  	_ =	shalt  }
0x69: {  	_ =	shalt  }
0x6a: {  	_ =	shalt  }
0x6b: {  	_ =	shalt  }
0x6c: {  	_ =	shalt  }
0x6d: {  	_ =	shalt  }
0x6e: {  	_ =	shalt  }
0x6f: {  	_ =	shalt  }
0x70: {  	_ =	shalt  }
0x71: {  	_ =	shalt  }
0x72: {  	_ =	shalt  }
0x73: {  	_ =	shalt  }
0x74: {  	_ =	shalt  }
0x75: {  	_ =	shalt  }
0x76: {  	_ =	shalt  }
0x77: {  	_ =	shalt  }
0x78: {  	_ =	shalt  }
0x79: {  	_ =	shalt  }
0x7a: {  	_ =	shalt  }
0x7b: {  	_ =	shalt  }
0x7c: {  	_ =	shalt  }
0x7d: {  	_ =	shalt  }
0x7e: {  	_ =	shalt  }
0x7f: {  	_ =	shalt  }
0x80: {  	_ =	shalt  }
0x81: {  	_ =	shalt  }
0x82: {  	_ =	shalt  }
0x83: {  	_ =	shalt  }
0x84: {  	_ =	shalt  }
0x85: {  	_ =	shalt  }
0x86: {  	_ =	shalt  }
0x87: {  	_ =	shalt  }
.Lfunc_end0:
.L_simem_size_0:
called_computation_lowered:
.L_overlay_start_0:
0x88: {  	s2 =	sld [smem:$0x3FD9]  }
0x89: {  	s3 =	sld [smem:$0x3FFE];
	_ =	sdelay $0x1  }
0x8a: {  	s1 =	srdreg.scid  }
0x8b: {  	s0 =	sand.u32 $0x1, s1  }
0x8c: {  	s14 =	sshll.u32 s0, $0xA;
	s2 =	sadd.s32 s3, s2  }
0x8d: {  	s2 =	sadd.s32 s2, s14  }
0x8e: {  	[smem:$0x3FC6] =	sst s2  }
0x8f: {  	_ = 	snop  }
0x90: {  	s2 =	sld [smem:$0x3FD0];
	_ =	sdelay $0x2  }
0x91: {  	s15 =	simm.s32 $0xA;
	s4 =	simm.s32 $0x10  }
0x92: {  	[smem:s4], [sflag:s15] =	dma.local [hbm:s2], $0x1  }
0x93: {  	_ =	swait.eq [sflag:s15], $0x1  }
0x94: {  	[sflag:s15] =	ssyncset.done $0x0  }
0x95: {  	s16 =	sld [smem:$0x11];
	[sflag:s15] =	ssyncadd.s32 $0xFFFFFFFF  }
0x96: {  	s17 =	sld [smem:$0x12];
	(tm) =	ssettm $0x1  }
0x97: {  	s18 =	sld [smem:$0x3FFB];
	_ =	sdelay $0x3  }
0x98: {  	_ =	strace s18  }
0x99: {  	s4 =	sld [smem:$0x3FFC];
	_ =	sdelay $0x3  }
0x9a: {  	_ =	strace s4  }
0x9b: {  	s4 =	sld [smem:$0x3FFD];
	_ =	sdelay $0x3  }
0x9c: {  	_ =	strace s4  }
0x9d: {  	_ =	strace $0x8FFFFFFF  }
0x9e: {  	s19 =	sld [smem:$0x3FDB];
	_ =	sdelay $0x1  }
0x9f: {  	s5 =	simm.s32 $_scs_section_size  }
0xa0: {  	s6 =	simm.s32 $_size__tile_overlayer_lowered;
	s7 =	simm.s32 $_tile_overlayer_lowered  }
0xa1: {  	s22 =	simm.s32 $0x1BFF;
	s21 =	sshll.u32 s7, $0x1;
	s4 =	sadd.s32 s5, s19  }
0xa2: {  	s8 =	simm.s32 $0x0;
	s20 =	sshll.u32 s6, $0x1;
	s6 =	sadd.s32 s21, s4  }
0xa3: {  	[timem:s8], [sflag:s22] =	dma.local [hbm:s6], s20  }
0xa4: {  	_ =	swait.ge [sflag:s22], s20  }
0xa5: {  	s5 =	ssub.s32 $0x0, s20;
	[sflag:s22] =	ssyncset.done $0x0  }
0xa6: {  	[sflag:s22] =	ssyncadd.s32 s5;
	_ =	sdelay $0x1  }
0xa7: {  	s23 =	simm.s32 $0x1B8B  }
0xa8: {  	_ =	swait.ge [sflag:s23], $0x1  }
0xa9: {  	[sflag:s23] =	ssyncset.done $0x0  }
0xaa: {  	s25 =	simm.s32 $0x1B8E;
	s24 =	sld [smem:$0x3FFE];
	[sflag:s23] =	ssyncadd.s32 $0xFFFFFFFF  }
0xab: {  	s26 =	simm.s32 $execute0_lowered;
	[smem:$0x3FD2] =	sst s25  }
0xac: {  	s6 =	sshll.u32 s26, $0x1;
	_ =	strace $0x80000046;
	[dreg:$0x1] =	wrdreg $0xFFFFFFFF  }
0xad: {  	s28 =	simm.s32 $_size_execute0_lowered;
	s4 =	sadd.s32 s4, s6;
	[dreg:$0x0] =	wrdreg $0x0  }
0xae: {  	s6 =	sshll.u32 s28, $0x1;
	[dreg:$0x2] =	wrdreg s4  }
0xaf: {  	[dreg:$0x3] =	wrdreg s6  }
0xb0: {  	[dreg:$0x4] =	wrdreg $0xC0  }
0xb1: {  	_ =	task [dreg:s8], $0x5FFFF  }
0xb2: {  	[dreg:$0x1] =	wrdreg $0xFFFFFFFF  }
0xb3: {  	[dreg:$0x0] =	wrdreg $0x60  }
0xb4: {  	[dreg:$0x2] =	wrdreg s16  }
0xb5: {  	[dreg:$0x3] =	wrdreg s24  }
0xb6: {  	[dreg:$0x4] =	wrdreg s17  }
0xb7: {  	[dreg:$0x5] =	wrdreg $0x9  }
0xb8: {  	_ =	task.clear_ibuf [dreg:s8], $0x6FFFF;
	_ =	strace $0x90000046  }
0xb9: {  	s29 =	simm.s32 $0x9;
	_ =	strace $0x80000048  }
0xba: {  	_ =	swait.ge [sflag:s29], $0x1  }
0xbb: {  	[sflag:s29] =	ssyncadd.s32 $0xFFFFFFFF  }
0xbc: {  	_ =	strace $0x90000048  }
0xbd: {  	_ =	sfence  }
0xbe: {  	s30 =	sld [smem:$0x0];
	_ =	sdelay $0x2  }
0xbf: {  	s31 =	sshll.u32 s1, $0xD;
	s1 =	sshrl.u32 s1, $0x2  }
0xc0: {  	s3 =	sand.u32 $0x4000, s31;
	s1 =	sadd.s32 s1, s30  }
0xc1: {  	s0 =	sor.u32 s3, s0;
	s1 =	sshll.u32 s1, $0x11  }
0xc2: {  	s0 =	sor.u32 s1, s0  }
0xc3: {  	s0 =	sadd.s32 $0x8F2B, s0  }
0xc4: {  	[sflag:s0] =	ssyncadd.remote.s32 $0x1  }
0xc5: {  	_ =	sfence.sel $0xFFFF  }
0xc6: {  	[dreg:$0x0] =	wrdreg $0xFFFFFFFF;
	(pc) =	sbr.abs _section_cstart, $3  }
0xc7: {  	[dreg:$0x1] =	wrdreg $0xFFFFFFFF  }
0xc8: {  	_ =	task.clear_ibuf [dreg:s8], $0x2FFFF;
	_ =	strace $0x9FFFFFFF  }
0xc9: {  	(tm) =	ssettm $0x7FFFFFFF  }
tec
execute0_lowered:
.L_overlay_start_1:
0x0: {  	(tag) =	ssettag $0x1  }
0x1: {  	s13 =	rddreg [dreg:$0x0]  }
0x2: {  	s0 =	rddreg [dreg:$0x1]  }
0x3: {  	s2 =	rddreg [dreg:$0x2];
	s4 =	simm.s32 $0x0  }
0x4: {  	s1 =	srdreg.scid;
	s10 =	stileid.u32;
	s14 =	simm.s32 $0x2  }
0x5: {  	s15 =	simm.s32 $0x2000;
	s16 =	simm.s32 $0x1000;
	s17 =	simm.s32 $0x13000  }
0x6: {  	s18 =	simm.s32 $0x3000;
	s19 =	simm.s32 $0xB000;
	s20 =	simm.s32 $0x19020  }
0x7: {  	s21 =	simm.s32 $0x1B020;
	s22 =	simm.s32 $0x15020;
	s23 =	simm.s32 $0x17020  }
0x8: {  	s24 =	simm.s32 $0x1;
	[smem:$0x7FF] =	sst s4;
	s1 =	sand.u32 $0x1, s1  }
0x9: {  	s3 =	sadd.s32 $0xC00, s0;
	s5 =	sshll.u32 s10, $0x1;
	s6 =	sadd.s32 $0x60C00, s0  }
0xa: {  	s7 =	sadd.s32 $0x120C00, s0;
	s29 =	sshrl.u32 s10, $0x2;
	s30 =	sand.u32 $0x3, s10  }
0xb: {  	s10 =	sadd.s32 $0x4000, s13;
	_ =	strace $0x80000047;
	s25 =	ssub.s32 $0x2, s1  }
0xc: {  	[dreg:$0x4] =	wrdreg s3;
	s5 =	sand.u32 $0x6, s5;
	s8 =	sshrl.u32 s25, $0x1  }
0xd: {  	s28 =	sor.u32 s1, s5;
	s5 =	sshll.u32 s30, $0x10;
	s1 =	sshll.u32 s1, $0xF  }
0xe: {  	[dreg:$0x5] =	wrdreg s29;
	s26 =	ssub.s32 s25, s8;
	s31 =	sor.u32 s1, s5  }
0xf: {  	v2 =	vlaneseq.u32;
	v3 =	vimm.f32 $+Inf;
	v4 =	vimm.s32 $0x20000;
	s9 =	sshll.u32 s28, $0xF;
	s0 =	smax.u32 s26, $0x1;
	[dreg:$0x7] =	wrdreg s31  }
0x10: {  	s11 =	sadd.s32 $0x8000, s13;
	v5 =	vor.u32 $0x1000, v2;
	v0 =	vmov s28;
	s1 =	simm.s32 $0x0;
	v1 =	vmov s9;
	[dreg:$0x6] =	wrdreg s0  }
.LBB2_1:
0x11: {  	[dreg:$0x8] =	wrdreg s1;
	p1 =	por $0x1, $0x1;
	s0 =	simm.s32 $0x0  }
.LBB2_2:
0x12: {  	p0 =	por p1, p1;
	s1 =	simm.s32 $0x40;
	s3 =	simm.s32 $0x0  }
.LBB2_3:
0x13: {  	p1 =	seq.s32 s1, $0x1FFC0;
	[tilespmem:s3+$0x3000] =	vst v3;
	s5 =	smov.u32 s1;
	s1 =	sadd.s32 $0x40, s1  }
.Ltmp0:
0x14: {  	[tilespmem:s3+$0xB000] =	vst v4;
	(pc) =	sbr.rel @!p1 .LBB2_3-.Ltmp0, $2  }
0x15: {  	_ =	sdelay $0x2  }
0x16: {  	s3 =	sshra.s32 s5, $0x2  }
.Ltmp1:
0x17: {  	(pc) =	sbr.rel .LBB2_5-.Ltmp1, $4  }
0x18: {  	_ = 	snop  }
0x19: {  	s1 =	rddreg [dreg:$0x5]  }
0x1a: {  	[tilespmem:s3+$0x3000] =	vst v3;
	s26 =	sor.u32 s1, s0  }
0x1b: {  	[tilespmem:s3+$0xB000] =	vst v4;
	s29 =	simm.s32 $0x0;
	s30 =	simm.s32 $0x0;
	s28 =	sshll.u32 s26, $0x13  }
.LBB2_16:
0x1c: {  	s30 =	sadd.s32 $0x1, s30  }
0x1d: {  	p1 =	seq.s32 s30, $0x20  }
.Ltmp2:
0x1e: {  	_ = 	snop;
	(pc) =	sbr.rel @p1 .LBB2_17-.Ltmp2, $1  }
0x1f: {  	_ =	sdelay $0x3  }
.LBB2_5:
0x20: {  	s3 =	sshll.u32 s30, $0xC  }
0x21: {  	s0 =	sadd.s32 s28, s3  }
0x22: {  	s0 =	sshrl.u32 s0, $0x3  }
0x23: {  	s1 =	sadd.s32 s13, s0  }
0x24: {  	[tilespmem:s29], [sflag:$0x2] =	stream.linear.gather [hbm4b:s1+s29], $0x1000, $0x38;
	[tilespmem:$0x1D020] =	vst v63  }
0x25: {  	_ =	swait.ge [sflag:s14], $0x1000  }
0x26: {  	[sflag:s14] =	ssyncset.done $0x0  }
0x27: {  	s5 =	simm.s32 $0x1000;
	s31 =	sadd.s32 s0, s10;
	[sflag:s14] =	ssyncadd.s32 $0xFFFFF000  }
0x28: {  	[tilespmem:s5], [sflag:$0x2] =	stream.linear.gather [hbm4b:s31+s29], $0x1000, $0x38;
	[tilespmem:$0x1D020] =	vst v63  }
0x29: {  	_ =	swait.ge [sflag:s14], $0x1000  }
0x2a: {  	[sflag:s14] =	ssyncset.done $0x0  }
0x2b: {  	s0 =	sadd.s32 s0, s11;
	[sflag:s14] =	ssyncadd.s32 $0xFFFFF000  }
0x2c: {  	[tilespmem:s15], [sflag:$0x2] =	stream.linear.gather [hbm4b:s0+s29], $0x1000, $0x38;
	[tilespmem:$0x1D020] =	vst v63  }
0x2d: {  	_ =	swait.ge [sflag:s14], $0x1000  }
0x2e: {  	[sflag:s14] =	ssyncset.done $0x0  }
0x2f: {  	[sflag:s14] =	ssyncadd.s32 $0xFFFFF000  }
0x30: {  	v6 =	vld [tilespmem:s5+$0x0];
	_ =	sdelay $0x4  }
0x31: {  	v6 =	vmul.f32 $5.120000000e+02, v6;
	_ =	sdelay $0x1  }
0x32: {  	v6 =	vtrunc.f32 v6  }
0x33: {  	v6 =	vcvt.f32.s32 v6;
	_ =	sdelay $0x1  }
0x34: {  	v6 =	vshra.s32 v6, $0x6  }
0x35: {  	vm0 =	veq.s32 v6, v0  }
0x36: {  	v6 =	vmpcnt.ones.xlane vm0;
	_ =	sdelay $0x1  }
0x37: {  	v7 =	vor.u32 s29, v2;
	(v2sf) =	vpush v6, $0x0  }
0x38: {  	s8 =	simm.s32 $0x1010;
	[tilespmem:s29+$0x14010] =	vst.msk vm0, v7  }
0x39: {  	s12 =	simm.s32 $0x20;
	s0 =	simm.s32 $0x0;
	s5 =	simm.s32 $0x10;
	v6 =	vld [tilespmem:s8+$0x0]  }
.LBB2_6:
0x3a: {  	p1 =	sne.s32 s12, $0xFF0;
	_ =	sdelay $0x3  }
0x3b: {  	v6 =	vmul.f32 $5.120000000e+02, v6;
	_ =	sdelay $0x1  }
0x3c: {  	v6 =	vtrunc.f32 v6  }
0x3d: {  	v6 =	vcvt.f32.s32 v6;
	_ =	sdelay $0x1  }
0x3e: {  	v6 =	vshra.s32 v6, $0x6  }
0x3f: {  	vm0 =	veq.s32 v6, v0  }
.Ltmp3:
0x40: {  	v6 =	vmpcnt.ones.xlane vm0;
	(pc) =	sbr.rel @p1 .LBB2_6-.Ltmp3, $4  }
0x41: {  	s1 =	spop (v2sf)  }
0x42: {  	v7 =	vor.u32 s5, v2;
	s5 =	smov.u32 s12;
	(v2sf) =	vpush v6, $0x0;
	s0 =	sadd.s32 s0, s1  }
0x43: {  	s8 =	sadd.s32 $0x10, s8;
	[tilespmem:s0+$0x14010] =	vst.msk vm0, v7  }
0x44: {  	s12 =	sadd.s32 $0x10, s12;
	v6 =	vld [tilespmem:s8+$0x0]  }
0x45: {  	_ =	sdelay $0x3  }
0x46: {  	v6 =	vmul.f32 $5.120000000e+02, v6;
	_ =	sdelay $0x1  }
0x47: {  	v6 =	vtrunc.f32 v6  }
0x48: {  	v6 =	vcvt.f32.s32 v6;
	_ =	sdelay $0x1  }
0x49: {  	v6 =	vshra.s32 v6, $0x6  }
0x4a: {  	vm0 =	veq.s32 v6, v0  }
0x4b: {  	v6 =	vmpcnt.ones.xlane vm0;
	_ =	sdelay $0x1  }
0x4c: {  	(v2sf) =	vpush v6, $0x0;
	_ =	sdelay $0xd  }
0x4d: {  	s1 =	spop (v2sf)  }
0x4e: {  	s8 =	sadd.s32 s0, s1;
	s31 =	spop (v2sf)  }
0x4f: {  	s1 =	sadd.s32 s8, s31  }
0x50: {  	s0 =	sadd.s32 $0xF, s1  }
0x51: {  	s0 =	sshra.s32 s0, $0x4  }
0x52: {  	p1 =	slt.s32 s0, $0x1  }
.Ltmp4:
0x53: {  	_ = 	snop;
	(pc) =	sbr.rel @p1 .LBB2_16-.Ltmp4, $3  }
0x54: {  	_ =	sdelay $0x1  }
0x55: {  	v6 =	vor.u32 s5, v2  }
0x56: {  	[tilespmem:s8+$0x14010] =	vst.msk vm0, v6  }
.Ltmp5:
0x57: {  	(pc) =	sbr.rel .LBB2_9-.Ltmp5, $2  }
0x58: {  	_ =	sdelay $0x2  }
0x59: {  	v6 =	vmov s1;
	v7 =	vmov s3;
	s3 =	simm.s32 $0x0  }
.LBB2_10:
0x5a: {  	_ =	sdelay $0x3  }
0x5b: {  	v12 =	vld.idx.msk [tilespmem:v8+s19+$0x0], $0xffff;
	_ =	sdelay $0x4  }
0x5c: {  	vm2 =	veq.f32 v10, v11;
	vm3 =	vlt.s32 v9, v12  }
0x5d: {  	vm2 =	vmand vm2, vm3  }
0x5e: {  	vm1 =	vmor vm1, vm2  }
0x5f: {  	vm0 =	vmand vm0, vm1;
	_ =	sdelay $0x5  }
0x60: {  	[tilespmem:v8+s18+$0x0] =	vst.idx.msk vm0, v10  }
0x61: {  	[tilespmem:v8+s19+$0x0] =	vst.idx.msk vm0, v9  }
.LBB2_15:
0x62: {  	s3 =	sadd.s32 $0x1, s3  }
0x63: {  	p1 =	sne.s32 s3, s0  }
.Ltmp6:
0x64: {  	_ = 	snop;
	(pc) =	sbr.rel @!p1 .LBB2_16-.Ltmp6, $1  }
0x65: {  	_ =	sdelay $0x3  }
.LBB2_9:
0x66: {  	s1 =	sshll.u32 s3, $0x4  }
0x67: {  	v8 =	vld [tilespmem:s1+$0x14010];
	_ =	sdelay $0x4  }
0x68: {  	v9 =	vand.u32 $0xFFF, v8;
	_ =	sdelay $0x4  }
0x69: {  	v8 =	vld.idx.msk [tilespmem:v9+s16+$0x0], $0xffff  }
0x6a: {  	v10 =	vld.idx.msk [tilespmem:v9+s4+$0x0], $0xffff;
	_ =	sdelay $0x3  }
0x6b: {  	v8 =	vmul.f32 $5.120000000e+02, v8  }
0x6c: {  	v10 =	vmul.f32 $5.120000000e+02, v10  }
0x6d: {  	v8 =	vtrunc.f32 v8  }
0x6e: {  	v10 =	vtrunc.f32 v10;
	v8 =	vcvt.f32.s32 v8  }
0x6f: {  	v10 =	vcvt.f32.s32 v10  }
0x70: {  	vm0 =	vgt.s32 v8, $0x0  }
0x71: {  	vm1 =	vgt.s32 v10, $0x0;
	v8 =	vnsel vm0, $0x0, v8  }
0x72: {  	v10 =	vnsel vm1, $0x0, v10;
	v8 =	vmin.u32 v8, $0x1FF  }
0x73: {  	v10 =	vmin.u32 v10, $0x1FF;
	v8 =	vshll.u32 v8, $0x9  }
0x74: {  	v11 =	vor.u32 s1, v2;
	v8 =	vor.u32 v10, v8  }
0x75: {  	vm0 =	vlt.s32 v11, v6;
	v10 =	vand.u32 $0xFFF, v8  }
0x76: {  	v11 =	vsel vm0, v10, v5;
	_ =	sdelay $0x4  }
0x77: {  	v10 =	vld.idx.msk [tilespmem:v9+s15+$0x0], $0xffff;
	[tilespmem:v11+s17+$0x0] =	vst.idx.msk $0xffff, v2  }
0x78: {  	v11 =	vld.idx.msk [tilespmem:v11+s17+$0x0], $0xffff;
	_ =	sdelay $0x4  }
0x79: {  	vm1 =	vne.s32 v11, v2  }
0x7a: {  	vm1 =	vmand vm0, vm1  }
0x7b: {  	v11 =	vmpcnt.ones.xlane vm1;
	_ =	sdelay $0x1  }
0x7c: {  	(v2sf) =	vpush v11, $0x0;
	_ =	sdelay $0x9  }
0x7d: {  	v8 =	vsub.s32 v8, v1  }
0x7e: {  	v8 =	vnsel vm0, $0x0, v8;
	_ =	sdelay $0x3  }
0x7f: {  	s31 =	spop (v2sf)  }
0x80: {  	v11 =	vld.idx.msk [tilespmem:v8+s18+$0x0], $0xffff;
	p1 =	sgt.s32 s31, $0x0  }
.Ltmp7:
0x81: {  	_ = 	snop;
	(pc) =	sbr.rel @!p1 .LBB2_10-.Ltmp7, $2  }
0x82: {  	_ =	sdelay $0x2  }
0x83: {  	v9 =	vor.u32 v7, v9;
	vm1 =	vlt.f32 v10, v11  }
0x84: {  	vm1 =	vmand vm0, vm1  }
0x85: {  	v12 =	vmpcnt.ones.xlane vm1;
	_ =	sdelay $0x1  }
0x86: {  	(v2sf) =	vpush v12, $0x0;
	_ =	sdelay $0xe  }
0x87: {  	s1 =	spop (v2sf)  }
0x88: {  	p1 =	slt.s32 s1, $0x1  }
.Ltmp8:
0x89: {  	_ = 	snop;
	(pc) =	sbr.rel @p1 .LBB2_13-.Ltmp8, $1  }
0x8a: {  	_ =	sdelay $0x3  }
.LBB2_12:
0x8b: {  	[tilespmem:v8+s18+$0x0] =	vst.idx.msk vm1, v10  }
0x8c: {  	v12 =	vld.idx.msk [tilespmem:v8+s18+$0x0], $0xffff;
	_ =	sdelay $0x4  }
0x8d: {  	vm1 =	vlt.f32 v10, v12  }
0x8e: {  	vm1 =	vmand vm0, vm1  }
0x8f: {  	v63 =	vmpcnt.ones.xlane vm1;
	_ =	sdelay $0x1  }
0x90: {  	(v2sf) =	vpush v63, $0x0;
	_ =	sdelay $0xe  }
0x91: {  	s1 =	spop (v2sf)  }
0x92: {  	p1 =	sgt.s32 s1, $0x0  }
.Ltmp9:
0x93: {  	_ = 	snop;
	(pc) =	sbr.rel @p1 .LBB2_12-.Ltmp9, $1  }
0x94: {  	_ =	sdelay $0x3  }
.LBB2_13:
0x95: {  	_ =	sdelay $0x3  }
0x96: {  	v12 =	vld.idx.msk [tilespmem:v8+s18+$0x0], $0xffff;
	_ =	sdelay $0x4  }
0x97: {  	vm1 =	vlt.f32 v12, v11  }
0x98: {  	vm2 =	veq.f32 v10, v12;
	vm1 =	vmand vm0, vm1  }
0x99: {  	vm1 =	vmand vm2, vm1;
	_ =	sdelay $0x5  }
0x9a: {  	[tilespmem:v8+s19+$0x0] =	vst.idx.msk vm1, v4  }
0x9b: {  	v10 =	vld.idx.msk [tilespmem:v8+s19+$0x0], $0xffff;
	_ =	sdelay $0x4  }
0x9c: {  	vm0 =	vmand vm2, vm0;
	vm1 =	vlt.s32 v9, v10  }
0x9d: {  	vm1 =	vmand vm1, vm0  }
0x9e: {  	v10 =	vmpcnt.ones.xlane vm1;
	_ =	sdelay $0x1  }
0x9f: {  	(v2sf) =	vpush v10, $0x0;
	_ =	sdelay $0xe  }
0xa0: {  	s1 =	spop (v2sf)  }
0xa1: {  	p1 =	slt.s32 s1, $0x1  }
.Ltmp10:
0xa2: {  	_ = 	snop;
	(pc) =	sbr.rel @p1 .LBB2_15-.Ltmp10, $1  }
0xa3: {  	_ =	sdelay $0x3  }
.LBB2_14:
0xa4: {  	[tilespmem:v8+s19+$0x0] =	vst.idx.msk vm1, v9  }
0xa5: {  	v10 =	vld.idx.msk [tilespmem:v8+s19+$0x0], $0xffff;
	_ =	sdelay $0x4  }
0xa6: {  	vm1 =	vlt.s32 v9, v10  }
0xa7: {  	vm1 =	vmand vm1, vm0  }
0xa8: {  	v10 =	vmpcnt.ones.xlane vm1;
	_ =	sdelay $0x1  }
0xa9: {  	(v2sf) =	vpush v10, $0x0;
	_ =	sdelay $0xe  }
0xaa: {  	s1 =	spop (v2sf)  }
0xab: {  	p1 =	sgt.s32 s1, $0x0  }
.Ltmp11:
0xac: {  	_ = 	snop;
	(pc) =	sbr.rel @p1 .LBB2_14-.Ltmp11, $1  }
0xad: {  	_ =	sdelay $0x3  }
.Ltmp12:
0xae: {  	_ = 	snop;
	(pc) =	sbr.rel .LBB2_15-.Ltmp12, $1  }
0xaf: {  	_ =	sdelay $0x3  }
.LBB2_17:
0xb0: {  	s0 =	smul.u32 $0x60000, s26  }
0xb1: {  	s28 =	sshll.u32 s26, $0x12;
	s1 =	rddreg [dreg:$0x4]  }
0xb2: {  	s26 =	smul.u32 $0xC0000, s26;
	s3 =	simm.s32 $0x3000;
	s0 =	sshrl.u32 s0, $0x3  }
0xb3: {  	s12 =	simm.s32 $0xB000;
	s25 =	rddreg [dreg:$0x7];
	s29 =	sadd.s32 s1, s0  }
0xb4: {  	s0 =	simm.s32 $0x0;
	s30 =	sadd.s32 $0x4000, s29;
	s31 =	sadd.s32 $0x8000, s29  }
.LBB2_18:
0xb5: {  	v6 =	vmov s12  }
0xb6: {  	v7 =	vmov s3;
	_ =	sdelay $0x2  }
0xb7: {  	s13 =	simm.s32 $0x0  }
0xb8: {  	v8 =	vld.idx.msk [tilespmem:v6+s13+$0x0 ss:$0x1], $0xffff  }
0xb9: {  	v9 =	vld.idx.msk [tilespmem:v7+s13+$0x0 ss:$0x1], $0xffff;
	_ =	sdelay $0x3  }
0xba: {  	v10 =	vor.u32 s25, v2;
	vm0 =	vlt.s32 v8, $0x20000  }
0xbb: {  	v10 =	vand.u32 $0x1FFFF, v10;
	v9 =	vnsel vm0, $0x0, v9  }
0xbc: {  	v10 =	vsel vm0, v8, v10;
	[tilespmem:s13+$0x19020] =	vst v9  }
0xbd: {  	s8 =	sshll.u32 s0, $0xD;
	v8 =	vnsel vm0, $0xFFFFFFFF, v8;
	[tilespmem:s13+$0x15020] =	vst v10  }
0xbe: {  	s5 =	simm.s32 $0x10;
	s1 =	simm.s32 $0x80;
	[tilespmem:s13+$0x1B020] =	vst v8;
	s13 =	smov.u32 s25  }
.LBB2_19:
0xbf: {  	p1 =	sne.s32 s1, $0x7FC0;
	v8 =	vld.idx.msk [tilespmem:v6+s5+$0x0 ss:$0x1], $0xffff  }
0xc0: {  	v9 =	vld.idx.msk [tilespmem:v7+s5+$0x0 ss:$0x1], $0xffff;
	_ =	sdelay $0x2  }
0xc1: {  	s13 =	sadd.s32 $0x10, s13  }
0xc2: {  	v10 =	vor.u32 s13, v2  }
.Ltmp13:
0xc3: {  	v10 =	vand.u32 $0x1FFFF, v10;
	vm0 =	vlt.s32 v8, $0x20000;
	(pc) =	sbr.rel @p1 .LBB2_19-.Ltmp13, $4  }
0xc4: {  	v10 =	vsel vm0, v8, v10;
	v9 =	vnsel vm0, $0x0, v9;
	v8 =	vnsel vm0, $0xFFFFFFFF, v8  }
0xc5: {  	[tilespmem:s5+$0x19020] =	vst v9  }
0xc6: {  	[tilespmem:s5+$0x15020] =	vst v10  }
0xc7: {  	[tilespmem:s5+$0x1B020] =	vst v8;
	s5 =	sshra.s32 s1, $0x2;
	s1 =	sadd.s32 $0x40, s1  }
0xc8: {  	_ =	sdelay $0x3  }
0xc9: {  	v6 =	vld.idx.msk [tilespmem:v6+s5+$0x0 ss:$0x1], $0xffff  }
0xca: {  	v7 =	vld.idx.msk [tilespmem:v7+s5+$0x0 ss:$0x1], $0xffff;
	_ =	sdelay $0x2  }
0xcb: {  	s1 =	sadd.s32 $0x10, s13  }
0xcc: {  	v8 =	vor.u32 s1, v2;
	vm0 =	vlt.s32 v6, $0x20000  }
0xcd: {  	s8 =	sor.u32 s9, s8;
	v8 =	vand.u32 $0x1FFFF, v8;
	v7 =	vnsel vm0, $0x0, v7  }
0xce: {  	s13 =	sadd.s32 s28, s8;
	v8 =	vsel vm0, v6, v8;
	[tilespmem:s5+$0x19020] =	vst v7  }
0xcf: {  	s1 =	sshrl.u32 s13, $0x3;
	v6 =	vnsel vm0, $0xFFFFFFFF, v6;
	[tilespmem:s5+$0x15020] =	vst v8  }
0xd0: {  	s13 =	simm.s32 $0x0;
	[tilespmem:s5+$0x1B020] =	vst v6;
	s5 =	sadd.s32 s2, s1  }
0xd1: {  	[hbm4b:s5+s13] =	stream.linear.scatter [tilespmem:s20], [sflag:$0x2], $0x2000, $0x38;
	[tilespmem:$0x1D020] =	vst v63  }
0xd2: {  	_ =	swait.ge [sflag:s14], $0x2000  }
0xd3: {  	[sflag:s14] =	ssyncset.done $0x0  }
0xd4: {  	s1 =	sadd.s32 s7, s1;
	[sflag:s14] =	ssyncadd.s32 $0xFFFFE000  }
0xd5: {  	[hbm4b:s1+s13] =	stream.linear.scatter [tilespmem:s21], [sflag:$0x2], $0x2000, $0x38;
	[tilespmem:$0x1D020] =	vst v63  }
0xd6: {  	_ =	swait.ge [sflag:s14], $0x2000  }
0xd7: {  	[sflag:s14] =	ssyncset.done $0x0  }
0xd8: {  	[sflag:s14] =	ssyncadd.s32 $0xFFFFE000  }
0xd9: {  	[tilespmem:s23], [sflag:$0x1] =	stream.indirect.gather [hbm4b:s29+s15], $0x1, s22, s15, $0xb8;
	[tilespmem:$0x1D020] =	vst v63  }
0xda: {  	_ =	swait.ge [sflag:s24], $0x2000  }
0xdb: {  	[sflag:s24] =	ssyncset.done $0x0  }
0xdc: {  	s1 =	simm.s32 $0x0;
	[sflag:s24] =	ssyncadd.s32 $0xFFFFE000  }
0xdd: {  	v6 =	vld [tilespmem:s1+$0x1B020]  }
0xde: {  	s5 =	sadd.s32 s8, s26;
	s8 =	simm.s32 $0x40;
	v7 =	vld [tilespmem:s1+$0x17020]  }
.LBB2_21:
0xdf: {  	p1 =	sne.s32 s8, $0x7FC0  }
.Ltmp14:
0xe0: {  	_ = 	snop;
	(pc) =	sbr.rel @p1 .LBB2_21-.Ltmp14, $4  }
0xe1: {  	_ = 	snop  }
0xe2: {  	s13 =	sshra.s32 s8, $0x2;
	s8 =	sadd.s32 $0x40, s8;
	vm0 =	vgt.s32 v6, $0xFFFFFFFF  }
0xe3: {  	v6 =	vld [tilespmem:s13+$0x1B020];
	v8 =	vnsel vm0, $0x0, v7  }
0xe4: {  	v7 =	vld [tilespmem:s13+$0x17020];
	[tilespmem:s1+$0x19020] =	vst v8;
	s1 =	smov.u32 s13  }
0xe5: {  	_ =	sdelay $0x2  }
0xe6: {  	vm0 =	vgt.s32 v6, $0xFFFFFFFF  }
0xe7: {  	s5 =	sshrl.u32 s5, $0x3;
	v6 =	vnsel vm0, $0x0, v7  }
0xe8: {  	s13 =	simm.s32 $0x0;
	s5 =	sadd.s32 s6, s5;
	[tilespmem:s1+$0x19020] =	vst v6  }
0xe9: {  	[hbm4b:s5+s13] =	stream.linear.scatter [tilespmem:s20], [sflag:$0x2], $0x2000, $0x38;
	[tilespmem:$0x1D020] =	vst v63  }
0xea: {  	_ =	swait.ge [sflag:s14], $0x2000  }
0xeb: {  	[sflag:s14] =	ssyncset.done $0x0  }
0xec: {  	[sflag:s14] =	ssyncadd.s32 $0xFFFFE000  }
0xed: {  	[tilespmem:s23], [sflag:$0x1] =	stream.indirect.gather [hbm4b:s30+s15], $0x1, s22, s15, $0xb8;
	[tilespmem:$0x1D020] =	vst v63  }
0xee: {  	_ =	swait.ge [sflag:s24], $0x2000  }
0xef: {  	[sflag:s24] =	ssyncset.done $0x0  }
0xf0: {  	s1 =	simm.s32 $0x0;
	[sflag:s24] =	ssyncadd.s32 $0xFFFFE000  }
0xf1: {  	v6 =	vld [tilespmem:s1+$0x1B020]  }
0xf2: {  	s8 =	simm.s32 $0x40;
	v7 =	vld [tilespmem:s1+$0x17020]  }
.LBB2_23:
0xf3: {  	p1 =	sne.s32 s8, $0x7FC0  }
.Ltmp15:
0xf4: {  	_ = 	snop;
	(pc) =	sbr.rel @p1 .LBB2_23-.Ltmp15, $4  }
0xf5: {  	_ = 	snop  }
0xf6: {  	s13 =	sshra.s32 s8, $0x2;
	s8 =	sadd.s32 $0x40, s8;
	vm0 =	vgt.s32 v6, $0xFFFFFFFF  }
0xf7: {  	v6 =	vld [tilespmem:s13+$0x1B020];
	v8 =	vnsel vm0, $0x0, v7  }
0xf8: {  	v7 =	vld [tilespmem:s13+$0x17020];
	[tilespmem:s1+$0x19020] =	vst v8;
	s1 =	smov.u32 s13  }
0xf9: {  	_ =	sdelay $0x2  }
0xfa: {  	vm0 =	vgt.s32 v6, $0xFFFFFFFF  }
0xfb: {  	v6 =	vnsel vm0, $0x0, v7  }
0xfc: {  	s13 =	sadd.s32 $0x8000, s5;
	s8 =	simm.s32 $0x0;
	[tilespmem:s1+$0x19020] =	vst v6  }
0xfd: {  	[hbm4b:s13+s8] =	stream.linear.scatter [tilespmem:s20], [sflag:$0x2], $0x2000, $0x38;
	[tilespmem:$0x1D020] =	vst v63  }
0xfe: {  	_ =	swait.ge [sflag:s14], $0x2000  }
0xff: {  	[sflag:s14] =	ssyncset.done $0x0  }
0x100: {  	[sflag:s14] =	ssyncadd.s32 $0xFFFFE000  }
0x101: {  	[tilespmem:s23], [sflag:$0x1] =	stream.indirect.gather [hbm4b:s31+s15], $0x1, s22, s15, $0xb8;
	[tilespmem:$0x1D020] =	vst v63  }
0x102: {  	_ =	swait.ge [sflag:s24], $0x2000  }
0x103: {  	[sflag:s24] =	ssyncset.done $0x0  }
0x104: {  	s1 =	simm.s32 $0x0;
	[sflag:s24] =	ssyncadd.s32 $0xFFFFE000  }
0x105: {  	v6 =	vld [tilespmem:s1+$0x1B020]  }
0x106: {  	s8 =	simm.s32 $0x40;
	v7 =	vld [tilespmem:s1+$0x17020]  }
.LBB2_25:
0x107: {  	p1 =	sne.s32 s8, $0x7FC0  }
.Ltmp16:
0x108: {  	_ = 	snop;
	(pc) =	sbr.rel @p1 .LBB2_25-.Ltmp16, $4  }
0x109: {  	_ = 	snop  }
0x10a: {  	s13 =	sshra.s32 s8, $0x2;
	s8 =	sadd.s32 $0x40, s8;
	vm0 =	vgt.s32 v6, $0xFFFFFFFF  }
0x10b: {  	v6 =	vld [tilespmem:s13+$0x1B020];
	v8 =	vnsel vm0, $0x0, v7  }
0x10c: {  	v7 =	vld [tilespmem:s13+$0x17020];
	[tilespmem:s1+$0x19020] =	vst v8;
	s1 =	smov.u32 s13  }
0x10d: {  	_ =	sdelay $0x2  }
0x10e: {  	s0 =	sadd.s32 $0x1, s0;
	vm0 =	vgt.s32 v6, $0xFFFFFFFF  }
0x10f: {  	p1 =	sne.s32 s0, $0x4;
	v6 =	vnsel vm0, $0x0, v7  }
.Ltmp17:
0x110: {  	s13 =	sadd.s32 $0x10000, s5;
	[tilespmem:s1+$0x19020] =	vst v6;
	(pc) =	sbr.rel @p1 .LBB2_18-.Ltmp17, $4  }
0x111: {  	[hbm4b:s13+s4] =	stream.linear.scatter [tilespmem:s20], [sflag:$0x2], $0x2000, $0x38;
	[tilespmem:$0x1D020] =	vst v63  }
0x112: {  	_ =	swait.ge [sflag:s14], $0x2000  }
0x113: {  	s25 =	sadd.s32 $0x2000, s25;
	[sflag:s14] =	ssyncset.done $0x0  }
0x114: {  	s3 =	sadd.s32 $0x2000, s3;
	s12 =	sadd.s32 $0x2000, s12;
	[sflag:s14] =	ssyncadd.s32 $0xFFFFE000  }
.Ltmp18:
0x115: {  	(pc) =	sbr.rel @p0 .LBB2_2-.Ltmp18, $2  }
0x116: {  	_ =	sdelay $0x2  }
0x117: {  	s0 =	simm.s32 $0x4;
	p1 =	por $0x0, $0x0;
	s13 =	rddreg [dreg:$0x0]  }
0x118: {  	s1 =	rddreg [dreg:$0x8]  }
0x119: {  	s0 =	rddreg [dreg:$0x6];
	s1 =	sadd.s32 $0x1, s1  }
0x11a: {  	p0 =	sne.s32 s1, s0  }
.Ltmp19:
0x11b: {  	_ = 	snop;
	(pc) =	sbr.rel @p0 .LBB2_1-.Ltmp19, $1  }
0x11c: {  	_ =	sdelay $0x3  }
0x11d: {  	_ =	sfence.sel $0x180000  }
0x11e: {  	[bflag:$0x0] =	sbarrier.arrive $0xFFFF  }
0x11f: {  	_ =	strace $0x90000047  }
0x120: {  	s0 =	stileid.u32;
	[bflag:$0x2] =	sbarrier.arrive $0xFFFF  }
0x121: {  	p0 =	sne.s32 s0, $0x0;
	s0 =	rddreg [dreg:$0x3]  }
0x122: {  	s0 =	sadd.s32 @!p0 $0x100000, s0  }
0x123: {  	[sflag:s0] =	ssyncadd.tile.s32 @!p0 $0x1;
	_ =	shalt  }
.Lfunc_end2:
_tile_overlayer_lowered:
.L_overlay_start_2:
0x124: {  	(tag) =	ssettag $0x2  }
0x125: {  	s0 =	rddreg [dreg:$0x0];
	s2 =	stileid.u32  }
0x126: {  	s1 =	rddreg [dreg:$0x1];
	p0 =	sne.s32 s2, $0x0  }
0x127: {  	s3 =	rddreg [dreg:$0x2];
	[bflag:$0x3] =	sbarrier.arrive $0xFFFF;
	s2 =	simm.s32 @!p0 $0x1C02  }
0x128: {  	[timem:s3], [sflag:s2] =	dma.local @!p0 [hbm:s0], s1  }
0x129: {  	s0 =	simm.s32 @!p0 $0x2  }
0x12a: {  	_ =	swait.ge @!p0 [sflag:s0], s1  }
0x12b: {  	s1 =	ssub.s32 @!p0 $0x0, s1;
	[sflag:s0] =	ssyncset.done @!p0 $0x0  }
0x12c: {  	[sflag:s0] =	ssyncadd.s32 @!p0 s1  }
0x12d: {  	[bflag:$0x3] =	sbarrier.arrive $0xFFFF  }
0x12e: {  	_ =	shalt  }

</sc_bundles>
